<compile_context>
chip_gen: v7x
topology: tpu7x:2x2x1
jax: 0.10.2.dev20260603
libtpu: 0.0.44.dev20260713+nightly
codegen_flags: <defaults>
</compile_context>

<pallas_src>
import functools

import jax
import jax.numpy as jnp
from jax import lax
from jax.experimental import pallas as pl
from jax.experimental.pallas import tpu as pltpu
from jax.experimental.pallas import tpu_sc as plsc

G = 512
RATIO = 0.5
N = 100000
E = 1600000
NS = 16
CHUNK = 80
ZROWS = 1000
NZCH = N // ZROWS


def _feat_conv_body(y2_hbm, src_hbm, dst_hbm, out_hbm, acc_sh, zero_v, src_v,
                    dst_v, idx_v, rows_v, sem):
    c = lax.axis_index("c")
    s = lax.axis_index("s")
    zero_v[...] = jnp.zeros_like(zero_v)
    for j in range(-(-NZCH // NS)):
        cid = s + NS * j
        @pl.when(cid < NZCH)
        def _():
            pltpu.sync_copy(zero_v, acc_sh.at[pl.ds(cid * ZROWS, ZROWS)])
    plsc.subcore_barrier()

    nsteps = (E // NS) // CHUNK
    base0 = s * (E // NS)

    def step(i, carry):
        base = base0 + i * CHUNK
        pltpu.sync_copy(src_hbm.at[pl.ds(base, CHUNK)], src_v)
        pltpu.sync_copy(dst_hbm.at[pl.ds(base, CHUNK)], dst_v)
        for j in range(CHUNK // 16):
            idx_v[pl.ds(j * 16, 16)] = src_v[pl.ds(j * 16, 16)] * 2 + c
        pltpu.async_copy(y2_hbm.at[idx_v], rows_v, sem).wait()
        pltpu.sync_copy(rows_v, acc_sh.at[dst_v], add=True)
        return carry

    lax.fori_loop(0, nsteps, step, 0)
    plsc.subcore_barrier()
    for j in range(-(-NZCH // NS)):
        cid = s + NS * j
        @pl.when(cid < NZCH)
        def _():
            r0 = cid * ZROWS
            pltpu.sync_copy(acc_sh.at[pl.ds(r0, ZROWS)], out_hbm.at[c, pl.ds(r0, ZROWS)])


@jax.jit
def _feat_conv(y, src, dst):
    y2 = y.reshape(2 * N, 16)
    mesh = plsc.VectorSubcoreMesh(core_axis_name="c", subcore_axis_name="s")
    out = pl.kernel(
        _feat_conv_body,
        out_type=jax.ShapeDtypeStruct((2, N, 16), jnp.float32),
        mesh=mesh,
        compiler_params=pltpu.CompilerParams(use_tc_tiling_on_sc=False),
        scratch_types=[
            pltpu.VMEM_SHARED((N, 16), jnp.float32),
            pltpu.VMEM((ZROWS, 16), jnp.float32),
            pltpu.VMEM((CHUNK,), jnp.int32),
            pltpu.VMEM((CHUNK,), jnp.int32),
            pltpu.VMEM((CHUNK,), jnp.int32),
            pltpu.VMEM((CHUNK, 16), jnp.float32),
            pltpu.SemaphoreType.DMA,
        ],
    )(y2, src, dst)
    return jnp.concatenate([out[0], out[1]], axis=1)


CL = 2048
NPAD = N + CL


def _topk_body(u_hbm, batch_hbm, starts_hbm, k_hbm, out_hbm, ubuf, bbuf, sbuf,
               kbuf, mid_buf, t_buf, m_buf, cnt_buf, idx_buf, val_buf, sem):
    c = lax.axis_index("c")
    s = lax.axis_index("s")
    w = s * 2 + c
    g0 = w * 16
    pltpu.sync_copy(starts_hbm.at[pl.ds(g0, 24)], sbuf)
    pltpu.sync_copy(k_hbm.at[pl.ds(g0, 16)], kbuf)
    a = sbuf[pl.ds(0, 16)][0]
    end = sbuf[pl.ds(8, 16)][8]
    base0 = (a // 8) * 8
    nch = (end - base0 + (CL - 1)) // CL
    @pl.when(nch == 1)
    def _():
        pltpu.sync_copy(u_hbm.at[pl.ds(base0, CL)], ubuf)
        pltpu.sync_copy(batch_hbm.at[pl.ds(base0, CL)], bbuf)
    k_v = kbuf[...]
    dump_hi = jnp.full((16,), -1, jnp.int32)
    dump_lo = jnp.zeros((16,), jnp.int32)
    iota = lax.iota(jnp.int32, 16)

    def _slot(bv):
        rel = bv - g0
        return jnp.minimum(rel.astype(jnp.uint32), jnp.uint32(16)).astype(jnp.int32)

    def _count_pass(ind_fn, nslots):
        for q in range(nslots // 16):
            cnt_buf[pl.ds(q * 16, 16)] = jnp.zeros((16,), jnp.int32)

        def chunk(ch, carry):
            b0 = base0 + ch * CL

            @pl.when(nch > 1)
            def _():
                pltpu.sync_copy(u_hbm.at[pl.ds(b0, CL)], ubuf)
                pltpu.sync_copy(batch_hbm.at[pl.ds(b0, CL)], bbuf)

            def step(j, carry2):
                uv = ubuf[pl.ds(j * 16, 16)].astype(jnp.uint32)
                bv = bbuf[pl.ds(j * 16, 16)]
                slot = _slot(bv)
                idxv = b0 + j * 16 + iota
                ind_fn(uv, slot, idxv)
                return carry2

            lax.fori_loop(0, CL // 16, step, 0)
            return carry

        lax.fori_loop(0, nch, chunk, 0)

    def vsearch(i, lohi):
        lo, hi = lohi
        mid = lo + (hi - lo) // 2 + (hi - lo) % 2
        mid_buf[pl.ds(0, 16)] = mid.astype(jnp.int32)
        mid_buf[pl.ds(16, 16)] = dump_hi

        def ind(uv, slot, idxv):
            mval = plsc.load_gather(mid_buf, [slot]).astype(jnp.uint32)
            plsc.addupdate_scatter(cnt_buf, [slot],
                                   jnp.where(uv >= mval, 1, 0).astype(jnp.int32))

        _count_pass(ind, 32)
        cnt = cnt_buf[pl.ds(0, 16)]
        ge = cnt >= k_v
        return (jnp.where(ge, mid, lo), jnp.where(ge, hi, mid - jnp.uint32(1)))

    lo, hi = lax.fori_loop(0, 32, vsearch, (jnp.zeros((16,), jnp.uint32),
                                            jnp.full((16,), 0xFFFFFFFF, jnp.uint32)))
    t = lo
    t_buf[pl.ds(0, 16)] = t.astype(jnp.int32)
    t_buf[pl.ds(16, 16)] = dump_hi

    def ind_gt_eq(uv, slot, idxv):
        tval = plsc.load_gather(t_buf, [slot]).astype(jnp.uint32)
        plsc.addupdate_scatter(cnt_buf, [slot],
                               jnp.where(uv > tval, 1, 0).astype(jnp.int32))
        plsc.addupdate_scatter(cnt_buf, [slot + 24],
                               jnp.where(uv == tval, 1, 0).astype(jnp.int32))

    _count_pass(ind_gt_eq, 48)
    n_take = k_v - cnt_buf[pl.ds(0, 16)]

    def isearch(i, lohi2):
        lo2, hi2 = lohi2
        mid = (lo2 + hi2) // 2
        m_buf[pl.ds(0, 16)] = mid
        m_buf[pl.ds(16, 16)] = dump_lo

        def ind(uv, slot, idxv):
            tval = plsc.load_gather(t_buf, [slot]).astype(jnp.uint32)
            mval = plsc.load_gather(m_buf, [slot])
            eq = (uv == tval) & (idxv < mval)
            plsc.addupdate_scatter(cnt_buf, [slot],
                                   jnp.where(eq, 1, 0).astype(jnp.int32))

        _count_pass(ind, 32)
        cnt = cnt_buf[pl.ds(0, 16)]
        ge = cnt >= n_take
        return (jnp.where(ge, lo2, mid + 1), jnp.where(ge, mid, hi2))

    lo2, hi2 = lax.fori_loop(0, 17, isearch, (jnp.zeros((16,), jnp.int32),
                                              jnp.full((16,), N, jnp.int32)))
    m_buf[pl.ds(0, 16)] = lo2
    m_buf[pl.ds(16, 16)] = dump_lo

    def wchunk(ch, carry):
        b0 = base0 + ch * CL

        @pl.when(nch > 1)
        def _():
            pltpu.sync_copy(u_hbm.at[pl.ds(b0, CL)], ubuf)
            pltpu.sync_copy(batch_hbm.at[pl.ds(b0, CL)], bbuf)

        def sub(q, carry2):
            for j in range(8):
                uv = ubuf[pl.ds(q * 128 + j * 16, 16)].astype(jnp.uint32)
                bv = bbuf[pl.ds(q * 128 + j * 16, 16)]
                slot = _slot(bv)
                idxv = b0 + q * 128 + j * 16 + iota
                tval = plsc.load_gather(t_buf, [slot]).astype(jnp.uint32)
                mval = plsc.load_gather(m_buf, [slot])
                kp = (uv > tval) | ((uv == tval) & (idxv < mval))
                val_buf[pl.ds(j * 16, 16)] = jnp.where(kp, 1.0, 0.0)
                idx_buf[pl.ds(j * 16, 16)] = jnp.where(slot < 16, idxv, N)
            pltpu.async_copy(val_buf, out_hbm.at[idx_buf], sem).wait()
            return carry2

        lax.fori_loop(0, CL // 128, sub, 0)
        return carry

    lax.fori_loop(0, nch, wchunk, 0)


@jax.jit
def _topk_sc(u, batch_pad, starts, k):
    mesh = plsc.VectorSubcoreMesh(core_axis_name="c", subcore_axis_name="s")
    out = pl.kernel(
        _topk_body,
        out_type=jax.ShapeDtypeStruct((N + 8,), jnp.float32),
        mesh=mesh,
        compiler_params=pltpu.CompilerParams(use_tc_tiling_on_sc=False,
                                             needs_layout_passes=False),
        scratch_types=[
            pltpu.VMEM((CL,), jnp.int32),
            pltpu.VMEM((CL,), jnp.int32),
            pltpu.VMEM((24,), jnp.int32),
            pltpu.VMEM((16,), jnp.int32),
            pltpu.VMEM((32,), jnp.int32),
            pltpu.VMEM((32,), jnp.int32),
            pltpu.VMEM((32,), jnp.int32),
            pltpu.VMEM((48,), jnp.int32),
            pltpu.VMEM((128,), jnp.int32),
            pltpu.VMEM((128,), jnp.float32),
            pltpu.SemaphoreType.DMA,
        ],
    )(u, batch_pad, starts, k)
    return out[:N]


def _mlp_body(g_ref, w1_ref, b1_ref, w2_ref, b2_ref, w3_ref, b3_ref, out_ref):
    h = jnp.maximum(g_ref[...] @ w1_ref[...] + b1_ref[...], 0.0)
    h = jnp.maximum(h @ w2_ref[...] + b2_ref[...], 0.0)
    out_ref[...] = h @ w3_ref[...] + b3_ref[...]


def _mlp_head(g, Wm1, bm1, Wm2, bm2, Wm3, bm3):
    out = pl.pallas_call(
        _mlp_body,
        out_shape=jax.ShapeDtypeStruct((G, 1), jnp.float32),
    )(g, Wm1, bm1[None, :], Wm2, bm2[None, :], Wm3, bm3[None, :])
    return out.reshape(-1)


def kernel(aa, pos, is_cdr3, edge_index, batch, emb_table, W1, b1, Ws1, bs1, W2, b2,
           Ws2, bs2, W3, b3, Ws3, bs3, Wm1, bm1, Wm2, bm2, Wm3, bm3):
    n = aa.shape[0]
    src, dst = edge_index[0], edge_index[1]
    x = jnp.concatenate([emb_table[aa], pos, is_cdr3], axis=1)
    valid = jnp.ones((n,), bool)
    keepf = jnp.ones((n,), jnp.float32)
    batch = batch.astype(jnp.int32)
    starts = jnp.searchsorted(batch, jnp.arange(G + 1, dtype=jnp.int32)).astype(jnp.int32)
    starts_pad = jnp.concatenate([starts, jnp.full((7,), N, jnp.int32)])
    batch_pad = jnp.concatenate([batch, jnp.full((CL,), G, jnp.int32)])
    counts = starts[1:] - starts[:-1]
    outs = []
    for (W, b, Ws, bs) in ((W1, b1, Ws1, bs1), (W2, b2, Ws2, bs2), (W3, b3, Ws3, bs3)):
        deg = jnp.ones((n,), jnp.float32).at[dst].add(keepf[src])
        dinv = lax.rsqrt(deg)
        xw = x @ W
        y = xw * dinv[:, None]
        agg = dinv[:, None] * (_feat_conv(y, src, dst) + y)
        h = jax.nn.relu(agg + b)
        hw = (h @ Ws).reshape(-1)
        z = jnp.where(valid, hw * dinv, 0.0)
        sagg = jnp.zeros((n,), jnp.float32).at[dst].add(z[src])
        score = dinv * (sagg + z) + bs[0]
        bbits = lax.bitcast_convert_type(score, jnp.int32)
        u = jnp.where(bbits < 0, ~bbits, bbits ^ jnp.int32(-2147483648)).astype(jnp.uint32)
        u = jnp.where(valid, u, jnp.uint32(0))
        u_pad = jnp.concatenate([lax.bitcast_convert_type(u, jnp.int32),
                                 jnp.zeros((CL,), jnp.int32)])
        k = (counts + 1) // 2
        keepf = _topk_sc(u_pad, batch_pad, starts_pad, k)
        keep = keepf > 0.5
        counts = k
        x = jnp.where(keep[:, None], h * jnp.tanh(score)[:, None], 0.0)
        valid = keep
        cnt = k.astype(jnp.float32)
        gmax = jax.ops.segment_max(jnp.where(keep[:, None], x, -jnp.inf), batch, num_segments=G)
        gmax = jnp.where(cnt[:, None] > 0, gmax, 0.0)
        gmean = jax.ops.segment_sum(x, batch, num_segments=G) / jnp.maximum(cnt, 1.0)[:, None]
        outs.append(jnp.concatenate([gmax, gmean], axis=1))
    g = outs[0] + outs[1] + outs[2]
    return _mlp_head(g, Wm1, bm1, Wm2, bm2, Wm3, bm3)

# --- scband reference (transcript-rebuilt; emitter-appended) ---
"""Pipeline reference for scband-sag-pool-binding-net-72808285602324 (READ-ONLY COPY).

The authoritative reference and input builder live on the scoring server;
editing this copy changes nothing except your own understanding.
"""

import jax, jax.numpy as jnp
import numpy as np

N = 100000
E = 1600000
G = 512
VOCAB = 25
EMB = 32
H = 32
RATIO = 0.5


def gcn_conv(x, edge_index, W, b, emask=None):
    n = x.shape[0]
    loop = jnp.arange(n)
    src = jnp.concatenate([edge_index[0], loop])
    dst = jnp.concatenate([edge_index[1], loop])
    if emask is None:
        w = jnp.ones((src.shape[0],), x.dtype)
    else:
        w = jnp.concatenate([emask.astype(x.dtype), jnp.ones((n,), x.dtype)])
    deg = jnp.zeros((n,), x.dtype).at[dst].add(w)
    dinv = jnp.where(deg > 0, 1.0 / jnp.sqrt(deg), 0.0)
    xw = x @ W
    coef = (dinv[src] * dinv[dst] * w)[:, None]
    out = jnp.zeros((n, W.shape[1]), x.dtype).at[dst].add(xw[src] * coef)
    return out + b


def topk_perm(score, batch, ratio, num_graphs, valid):
    n = score.shape[0]
    counts = jnp.zeros((num_graphs,), batch.dtype).at[batch].add(valid.astype(batch.dtype))
    k = jnp.ceil(ratio * counts.astype(jnp.float32)).astype(counts.dtype)
    starts = jnp.concatenate([jnp.zeros((1,), counts.dtype), jnp.cumsum(counts)[:-1]])
    batch_eff = jnp.where(valid, batch, num_graphs)
    order = jnp.lexsort((-score, batch_eff))
    bclip = jnp.minimum(batch_eff, num_graphs - 1)
    rank = jnp.arange(n) - starts[bclip]
    keep = (rank < k[bclip]) & (jnp.arange(n) < counts.sum())
    cidx = jnp.argsort(jnp.where(keep, 0, 1), stable=True)
    perm = order[cidx]
    new_valid = jnp.arange(n) < keep.sum()
    return perm, new_valid


def filter_adj(edge_index, perm, valid, emask, n):
    mask = jnp.zeros((n,), bool).at[perm].set(valid)
    new_id = jnp.zeros((n,), edge_index.dtype).at[perm].set(jnp.arange(n, dtype=edge_index.dtype))
    src, dst = edge_index[0], edge_index[1]
    em2 = emask & mask[src] & mask[dst]
    s2 = jnp.where(em2, new_id[src], 0)
    d2 = jnp.where(em2, new_id[dst], 0)
    return jnp.stack([s2, d2]), em2


def readout(x, batch, num_graphs, valid):
    cnt = jnp.zeros((num_graphs,), batch.dtype).at[batch].add(valid.astype(batch.dtype)).astype(x.dtype)
    gmax = jax.ops.segment_max(jnp.where(valid[:, None], x, -jnp.inf), batch, num_segments=num_graphs)
    gmax = jnp.where(cnt[:, None] > 0, gmax, 0.0)
    gmean = jax.ops.segment_sum(jnp.where(valid[:, None], x, 0.0), batch, num_segments=num_graphs) / jnp.maximum(cnt, 1.0)[:, None]
    return jnp.concatenate([gmax, gmean], axis=1)


def sag_pool(x, edge_index, batch, Ws, bs, nmask, emask):
    score = gcn_conv(x, edge_index, Ws, bs, emask).reshape(-1)
    perm, nmask2 = topk_perm(score, batch, RATIO, G, nmask)
    x2 = x[perm] * jnp.tanh(score[perm])[:, None]
    ei2, emask2 = filter_adj(edge_index, perm, nmask2, emask, x.shape[0])
    bt2 = jnp.where(nmask2, batch[perm], 0)
    return x2, ei2, bt2, nmask2, emask2


def setup_inputs(seed: int = 0):
    key = jax.random.key(seed)
    ks = jax.random.split(key, 30)
    s = 0.1
    inp = {}
    inp["aa"] = jax.random.randint(ks[0], (N,), 0, VOCAB)
    inp["pos"] = jax.random.normal(ks[1], (N, 1), dtype=jnp.float32)
    inp["is_cdr3"] = jax.random.uniform(ks[2], (N, 1), dtype=jnp.float32)
    inp["edge_index"] = jax.random.randint(ks[3], (2, E), 0, N)
    inp["batch"] = jnp.sort(jax.random.randint(ks[4], (N,), 0, G))
    inp["emb_table"] = jax.random.normal(ks[5], (VOCAB, EMB), dtype=jnp.float32) * s
    in_dim = EMB + 2
    inp["W1"] = jax.random.normal(ks[6], (in_dim, H), dtype=jnp.float32) * s
    inp["b1"] = jnp.zeros((H,), jnp.float32)
    inp["Ws1"] = jax.random.normal(ks[7], (H, 1), dtype=jnp.float32) * s
    inp["bs1"] = jnp.zeros((1,), jnp.float32)
    inp["W2"] = jax.random.normal(ks[8], (H, H), dtype=jnp.float32) * s
    inp["b2"] = jnp.zeros((H,), jnp.float32)
    inp["Ws2"] = jax.random.normal(ks[9], (H, 1), dtype=jnp.float32) * s
    inp["bs2"] = jnp.zeros((1,), jnp.float32)
    inp["W3"] = jax.random.normal(ks[10], (H, H), dtype=jnp.float32) * s
    inp["b3"] = jnp.zeros((H,), jnp.float32)
    inp["Ws3"] = jax.random.normal(ks[11], (H, 1), dtype=jnp.float32) * s
    inp["bs3"] = jnp.zeros((1,), jnp.float32)
    inp["Wm1"] = jax.random.normal(ks[12], (2 * H, H), dtype=jnp.float32) * s
    inp["bm1"] = jnp.zeros((H,), jnp.float32)
    inp["Wm2"] = jax.random.normal(ks[13], (H, H // 2), dtype=jnp.float32) * s
    inp["bm2"] = jnp.zeros((H // 2,), jnp.float32)
    inp["Wm3"] = jax.random.normal(ks[14], (H // 2, 1), dtype=jnp.float32) * s
    inp["bm3"] = jnp.zeros((1,), jnp.float32)
    return inp


def reference(aa, pos, is_cdr3, edge_index, batch, emb_table, W1, b1, Ws1, bs1, W2, b2, Ws2, bs2, W3, b3, Ws3, bs3, Wm1, bm1, Wm2, bm2, Wm3, bm3):
    x = jnp.concatenate([emb_table[aa], pos, is_cdr3], axis=1)
    x = jax.nn.relu(gcn_conv(x, edge_index, W1, b1))
    nm = jnp.ones((x.shape[0],), bool)
    em = jnp.ones((edge_index.shape[1],), bool)
    x, ei, bt, nm, em = sag_pool(x, edge_index, batch, Ws1, bs1, nm, em)
    x1 = readout(x, bt, G, nm)
    x = jax.nn.relu(gcn_conv(x, ei, W2, b2, em))
    x, ei, bt, nm, em = sag_pool(x, ei, bt, Ws2, bs2, nm, em)
    x2 = readout(x, bt, G, nm)
    x = jax.nn.relu(gcn_conv(x, ei, W3, b3, em))
    x, ei, bt, nm, em = sag_pool(x, ei, bt, Ws3, bs3, nm, em)
    x3 = readout(x, bt, G, nm)
    g = x1 + x2 + x3
    h = jax.nn.relu(g @ Wm1 + bm1)
    h = jax.nn.relu(h @ Wm2 + bm2)
    return (h @ Wm3 + bm3).reshape(-1)

if __name__ == "__main__":
    import jax
    _d = setup_inputs()
    print(jax.jit(kernel)(*tuple(_d.values())))

</pallas_src>

<mosaic_0001>
#map = affine_map<(d0, d1) -> (0, 0)>
#map1 = affine_map<(d0, d1) -> (0)>
#map2 = affine_map<(d0, d1) -> (0, 0, 0)>
module attributes {stable_mosaic.version = 14 : i64} {
  func.func @_feat_conv_body(%arg0: i32, %arg1: i32, %arg2: memref<200000x16xf32, #tpu.memory_space<hbm>>, %arg3: memref<1600000xi32, #tpu.memory_space<hbm>>, %arg4: memref<1600000xi32, #tpu.memory_space<hbm>>, %arg5: memref<2x100000x16xf32, #tpu.memory_space<hbm>>, %arg6: memref<100000x16xf32, #tpu.memory_space<vmem_shared>>, %arg7: memref<1000x16xf32, #tpu.memory_space<vmem>>, %arg8: memref<80xi32, #tpu.memory_space<vmem>>, %arg9: memref<80xi32, #tpu.memory_space<vmem>>, %arg10: memref<80xi32, #tpu.memory_space<vmem>>, %arg11: memref<80x16xf32, #tpu.memory_space<vmem>>, %arg12: memref<!tpu.dma_semaphore, #tpu.memory_space<semaphore_mem>>) attributes {dimension_semantics = [#tpu.dimension_semantics<core_parallel>, #tpu.dimension_semantics<subcore_parallel>], iteration_bounds = array<i64: 2, 16>, scalar_prefetch = 0 : i64, scratch_operands = 7 : i64, tpu.core_type = #tpu.core_type<sc_vector_subcore>, window_params = [{transform_indices = #map}, {transform_indices = #map1}, {transform_indices = #map1}, {transform_indices = #map2}]} {
    %broadcast_in_dim3A = arith.constant 0.000000e+00 : f32
    %broadcast_in_dim3A_0 = vector.broadcast %broadcast_in_dim3A : f32 to vector<1000x16xf32>
    %swap3A = arith.constant 0 : index
    %swap3A_1 = arith.constant 0 : index
    %swap3A_2 = tpu.vector_load %arg7[%swap3A, %swap3A_1] {strides = array<i32>} : memref<1000x16xf32, #tpu.memory_space<vmem>>, vector<1000x16xf32>,
    %swap3A_3 = vector.shape_cast %swap3A_2 : vector<1000x16xf32> to vector<1000x16xf32>
    %swap3A_4 = vector.shape_cast %broadcast_in_dim3A_0 : vector<1000x16xf32> to vector<1000x16xf32>
    tpu.vector_store %arg7[%swap3A, %swap3A_1], %swap3A_4 {strides = array<i32>} : memref<1000x16xf32, #tpu.memory_space<vmem>>, vector<1000x16xf32>,
    %add3A = arith.constant 0 : i32
    %add3A_5 = arith.addi %arg1, %add3A : i32
    %lt3A = arith.constant 100 : i32
    %lt3A_6 = arith.cmpi slt, %add3A_5, %lt3A : i32
    %convert_element_type3A = arith.extui %lt3A_6 : i1 to i32
    %cond3A = arith.constant 0 : i32
    %cond3A_7 = arith.cmpi ne, %convert_element_type3A, %cond3A : i32
    scf.if %cond3A_7 {
      %mul3A_106 = arith.constant 1000 : i32
      %mul3A_107 = arith.muli %add3A_5, %mul3A_106 : i32
      "tpu.region"() ({
        %run_scoped3A = tpu.sem_alloc : memref<!tpu.dma_semaphore, #tpu.memory_space<semaphore_mem>>
        %dma_start3A = arith.constant 0 : i32
        %dma_start3A_108 = tpu.memref_slice %arg6[%mul3A_107, %dma_start3A] : memref<100000x16xf32, #tpu.memory_space<vmem_shared>> -> memref<1000x16xf32, #tpu.memory_space<vmem_shared>>
        %dma_start3A_109 = arith.constant 0 : i32
        %dma_start3A_110 = tpu.memref_slice %arg6[%mul3A_107, %dma_start3A_109] : memref<100000x16xf32, #tpu.memory_space<vmem_shared>> -> memref<1000x16xf32, #tpu.memory_space<vmem_shared>>
        tpu.enqueue_dma source(%arg7 : memref<1000x16xf32, #tpu.memory_space<vmem>>) target(%dma_start3A_110 : memref<1000x16xf32, #tpu.memory_space<vmem_shared>>) target_semaphore(%run_scoped3A : memref<!tpu.dma_semaphore, #tpu.memory_space<semaphore_mem>>)
        %dma_wait3A = arith.constant 0 : i32
        %dma_wait3A_111 = tpu.memref_slice %arg6[%mul3A_107, %dma_wait3A] : memref<100000x16xf32, #tpu.memory_space<vmem_shared>> -> memref<1000x16xf32, #tpu.memory_space<vmem_shared>>
        %dma_wait3A_112 = arith.constant 0 : i32
        %dma_wait3A_113 = tpu.memref_slice %arg6[%mul3A_107, %dma_wait3A_112] : memref<100000x16xf32, #tpu.memory_space<vmem_shared>> -> memref<1000x16xf32, #tpu.memory_space<vmem_shared>>
        tpu.wait_dma2 semaphore(%run_scoped3A : memref<!tpu.dma_semaphore, #tpu.memory_space<semaphore_mem>>) src(%arg7 : memref<1000x16xf32, #tpu.memory_space<vmem>>) dst(%dma_wait3A_113 : memref<1000x16xf32, #tpu.memory_space<vmem_shared>>)
        tpu.yield
      }) : () -> ()
    } else {
    }
    %add3A_8 = arith.constant 16 : i32
    %add3A_9 = arith.addi %arg1, %add3A_8 : i32
    %lt3A_10 = arith.constant 100 : i32
    %lt3A_11 = arith.cmpi slt, %add3A_9, %lt3A_10 : i32
    %convert_element_type3A_12 = arith.extui %lt3A_11 : i1 to i32
    %cond3A_13 = arith.constant 0 : i32
    %cond3A_14 = arith.cmpi ne, %convert_element_type3A_12, %cond3A_13 : i32
    scf.if %cond3A_14 {
      %mul3A_106 = arith.constant 1000 : i32
      %mul3A_107 = arith.muli %add3A_9, %mul3A_106 : i32
      "tpu.region"() ({
        %run_scoped3A = tpu.sem_alloc : memref<!tpu.dma_semaphore, #tpu.memory_space<semaphore_mem>>
        %dma_start3A = arith.constant 0 : i32
        %dma_start3A_108 = tpu.memref_slice %arg6[%mul3A_107, %dma_start3A] : memref<100000x16xf32, #tpu.memory_space<vmem_shared>> -> memref<1000x16xf32, #tpu.memory_space<vmem_shared>>
        %dma_start3A_109 = arith.constant 0 : i32
        %dma_start3A_110 = tpu.memref_slice %arg6[%mul3A_107, %dma_start3A_109] : memref<100000x16xf32, #tpu.memory_space<vmem_shared>> -> memref<1000x16xf32, #tpu.memory_space<vmem_shared>>
        tpu.enqueue_dma source(%arg7 : memref<1000x16xf32, #tpu.memory_space<vmem>>) target(%dma_start3A_110 : memref<1000x16xf32, #tpu.memory_space<vmem_shared>>) target_semaphore(%run_scoped3A : memref<!tpu.dma_semaphore, #tpu.memory_space<semaphore_mem>>)
        %dma_wait3A = arith.constant 0 : i32
        %dma_wait3A_111 = tpu.memref_slice %arg6[%mul3A_107, %dma_wait3A] : memref<100000x16xf32, #tpu.memory_space<vmem_shared>> -> memref<1000x16xf32, #tpu.memory_space<vmem_shared>>
        %dma_wait3A_112 = arith.constant 0 : i32
        %dma_wait3A_113 = tpu.memref_slice %arg6[%mul3A_107, %dma_wait3A_112] : memref<100000x16xf32, #tpu.memory_space<vmem_shared>> -> memref<1000x16xf32, #tpu.memory_space<vmem_shared>>
        tpu.wait_dma2 semaphore(%run_scoped3A : memref<!tpu.dma_semaphore, #tpu.memory_space<semaphore_mem>>) src(%arg7 : memref<1000x16xf32, #tpu.memory_space<vmem>>) dst(%dma_wait3A_113 : memref<1000x16xf32, #tpu.memory_space<vmem_shared>>)
        tpu.yield
      }) : () -> ()
    } else {
    }
    %add3A_15 = arith.constant 32 : i32
    %add3A_16 = arith.addi %arg1, %add3A_15 : i32
    %lt3A_17 = arith.constant 100 : i32
    %lt3A_18 = arith.cmpi slt, %add3A_16, %lt3A_17 : i32
    %convert_element_type3A_19 = arith.extui %lt3A_18 : i1 to i32
    %cond3A_20 = arith.constant 0 : i32
    %cond3A_21 = arith.cmpi ne, %convert_element_type3A_19, %cond3A_20 : i32
    scf.if %cond3A_21 {
      %mul3A_106 = arith.constant 1000 : i32
      %mul3A_107 = arith.muli %add3A_16, %mul3A_106 : i32
      "tpu.region"() ({
        %run_scoped3A = tpu.sem_alloc : memref<!tpu.dma_semaphore, #tpu.memory_space<semaphore_mem>>
        %dma_start3A = arith.constant 0 : i32
        %dma_start3A_108 = tpu.memref_slice %arg6[%mul3A_107, %dma_start3A] : memref<100000x16xf32, #tpu.memory_space<vmem_shared>> -> memref<1000x16xf32, #tpu.memory_space<vmem_shared>>
        %dma_start3A_109 = arith.constant 0 : i32
        %dma_start3A_110 = tpu.memref_slice %arg6[%mul3A_107, %dma_start3A_109] : memref<100000x16xf32, #tpu.memory_space<vmem_shared>> -> memref<1000x16xf32, #tpu.memory_space<vmem_shared>>
        tpu.enqueue_dma source(%arg7 : memref<1000x16xf32, #tpu.memory_space<vmem>>) target(%dma_start3A_110 : memref<1000x16xf32, #tpu.memory_space<vmem_shared>>) target_semaphore(%run_scoped3A : memref<!tpu.dma_semaphore, #tpu.memory_space<semaphore_mem>>)
        %dma_wait3A = arith.constant 0 : i32
        %dma_wait3A_111 = tpu.memref_slice %arg6[%mul3A_107, %dma_wait3A] : memref<100000x16xf32, #tpu.memory_space<vmem_shared>> -> memref<1000x16xf32, #tpu.memory_space<vmem_shared>>
        %dma_wait3A_112 = arith.constant 0 : i32
        %dma_wait3A_113 = tpu.memref_slice %arg6[%mul3A_107, %dma_wait3A_112] : memref<100000x16xf32, #tpu.memory_space<vmem_shared>> -> memref<1000x16xf32, #tpu.memory_space<vmem_shared>>
        tpu.wait_dma2 semaphore(%run_scoped3A : memref<!tpu.dma_semaphore, #tpu.memory_space<semaphore_mem>>) src(%arg7 : memref<1000x16xf32, #tpu.memory_space<vmem>>) dst(%dma_wait3A_113 : memref<1000x16xf32, #tpu.memory_space<vmem_shared>>)
        tpu.yield
      }) : () -> ()
    } else {
    }
    %add3A_22 = arith.constant 48 : i32
    %add3A_23 = arith.addi %arg1, %add3A_22 : i32
    %lt3A_24 = arith.constant 100 : i32
    %lt3A_25 = arith.cmpi slt, %add3A_23, %lt3A_24 : i32
    %convert_element_type3A_26 = arith.extui %lt3A_25 : i1 to i32
    %cond3A_27 = arith.constant 0 : i32
    %cond3A_28 = arith.cmpi ne, %convert_element_type3A_26, %cond3A_27 : i32
    scf.if %cond3A_28 {
      %mul3A_106 = arith.constant 1000 : i32
      %mul3A_107 = arith.muli %add3A_23, %mul3A_106 : i32
      "tpu.region"() ({
        %run_scoped3A = tpu.sem_alloc : memref<!tpu.dma_semaphore, #tpu.memory_space<semaphore_mem>>
        %dma_start3A = arith.constant 0 : i32
        %dma_start3A_108 = tpu.memref_slice %arg6[%mul3A_107, %dma_start3A] : memref<100000x16xf32, #tpu.memory_space<vmem_shared>> -> memref<1000x16xf32, #tpu.memory_space<vmem_shared>>
        %dma_start3A_109 = arith.constant 0 : i32
        %dma_start3A_110 = tpu.memref_slice %arg6[%mul3A_107, %dma_start3A_109] : memref<100000x16xf32, #tpu.memory_space<vmem_shared>> -> memref<1000x16xf32, #tpu.memory_space<vmem_shared>>
        tpu.enqueue_dma source(%arg7 : memref<1000x16xf32, #tpu.memory_space<vmem>>) target(%dma_start3A_110 : memref<1000x16xf32, #tpu.memory_space<vmem_shared>>) target_semaphore(%run_scoped3A : memref<!tpu.dma_semaphore, #tpu.memory_space<semaphore_mem>>)
        %dma_wait3A = arith.constant 0 : i32
        %dma_wait3A_111 = tpu.memref_slice %arg6[%mul3A_107, %dma_wait3A] : memref<100000x16xf32, #tpu.memory_space<vmem_shared>> -> memref<1000x16xf32, #tpu.memory_space<vmem_shared>>
        %dma_wait3A_112 = arith.constant 0 : i32
        %dma_wait3A_113 = tpu.memref_slice %arg6[%mul3A_107, %dma_wait3A_112] : memref<100000x16xf32, #tpu.memory_space<vmem_shared>> -> memref<1000x16xf32, #tpu.memory_space<vmem_shared>>
        tpu.wait_dma2 semaphore(%run_scoped3A : memref<!tpu.dma_semaphore, #tpu.memory_space<semaphore_mem>>) src(%arg7 : memref<1000x16xf32, #tpu.memory_space<vmem>>) dst(%dma_wait3A_113 : memref<1000x16xf32, #tpu.memory_space<vmem_shared>>)
        tpu.yield
      }) : () -> ()
    } else {
    }
    %add3A_29 = arith.constant 64 : i32
    %add3A_30 = arith.addi %arg1, %add3A_29 : i32
    %lt3A_31 = arith.constant 100 : i32
    %lt3A_32 = arith.cmpi slt, %add3A_30, %lt3A_31 : i32
    %convert_element_type3A_33 = arith.extui %lt3A_32 : i1 to i32
    %cond3A_34 = arith.constant 0 : i32
    %cond3A_35 = arith.cmpi ne, %convert_element_type3A_33, %cond3A_34 : i32
    scf.if %cond3A_35 {
      %mul3A_106 = arith.constant 1000 : i32
      %mul3A_107 = arith.muli %add3A_30, %mul3A_106 : i32
      "tpu.region"() ({
        %run_scoped3A = tpu.sem_alloc : memref<!tpu.dma_semaphore, #tpu.memory_space<semaphore_mem>>
        %dma_start3A = arith.constant 0 : i32
        %dma_start3A_108 = tpu.memref_slice %arg6[%mul3A_107, %dma_start3A] : memref<100000x16xf32, #tpu.memory_space<vmem_shared>> -> memref<1000x16xf32, #tpu.memory_space<vmem_shared>>
        %dma_start3A_109 = arith.constant 0 : i32
        %dma_start3A_110 = tpu.memref_slice %arg6[%mul3A_107, %dma_start3A_109] : memref<100000x16xf32, #tpu.memory_space<vmem_shared>> -> memref<1000x16xf32, #tpu.memory_space<vmem_shared>>
        tpu.enqueue_dma source(%arg7 : memref<1000x16xf32, #tpu.memory_space<vmem>>) target(%dma_start3A_110 : memref<1000x16xf32, #tpu.memory_space<vmem_shared>>) target_semaphore(%run_scoped3A : memref<!tpu.dma_semaphore, #tpu.memory_space<semaphore_mem>>)
        %dma_wait3A = arith.constant 0 : i32
        %dma_wait3A_111 = tpu.memref_slice %arg6[%mul3A_107, %dma_wait3A] : memref<100000x16xf32, #tpu.memory_space<vmem_shared>> -> memref<1000x16xf32, #tpu.memory_space<vmem_shared>>
        %dma_wait3A_112 = arith.constant 0 : i32
        %dma_wait3A_113 = tpu.memref_slice %arg6[%mul3A_107, %dma_wait3A_112] : memref<100000x16xf32, #tpu.memory_space<vmem_shared>> -> memref<1000x16xf32, #tpu.memory_space<vmem_shared>>
        tpu.wait_dma2 semaphore(%run_scoped3A : memref<!tpu.dma_semaphore, #tpu.memory_space<semaphore_mem>>) src(%arg7 : memref<1000x16xf32, #tpu.memory_space<vmem>>) dst(%dma_wait3A_113 : memref<1000x16xf32, #tpu.memory_space<vmem_shared>>)
        tpu.yield
      }) : () -> ()
    } else {
    }
    %add3A_36 = arith.constant 80 : i32
    %add3A_37 = arith.addi %arg1, %add3A_36 : i32
    %lt3A_38 = arith.constant 100 : i32
    %lt3A_39 = arith.cmpi slt, %add3A_37, %lt3A_38 : i32
    %convert_element_type3A_40 = arith.extui %lt3A_39 : i1 to i32
    %cond3A_41 = arith.constant 0 : i32
    %cond3A_42 = arith.cmpi ne, %convert_element_type3A_40, %cond3A_41 : i32
    scf.if %cond3A_42 {
      %mul3A_106 = arith.constant 1000 : i32
      %mul3A_107 = arith.muli %add3A_37, %mul3A_106 : i32
      "tpu.region"() ({
        %run_scoped3A = tpu.sem_alloc : memref<!tpu.dma_semaphore, #tpu.memory_space<semaphore_mem>>
        %dma_start3A = arith.constant 0 : i32
        %dma_start3A_108 = tpu.memref_slice %arg6[%mul3A_107, %dma_start3A] : memref<100000x16xf32, #tpu.memory_space<vmem_shared>> -> memref<1000x16xf32, #tpu.memory_space<vmem_shared>>
        %dma_start3A_109 = arith.constant 0 : i32
        %dma_start3A_110 = tpu.memref_slice %arg6[%mul3A_107, %dma_start3A_109] : memref<100000x16xf32, #tpu.memory_space<vmem_shared>> -> memref<1000x16xf32, #tpu.memory_space<vmem_shared>>
        tpu.enqueue_dma source(%arg7 : memref<1000x16xf32, #tpu.memory_space<vmem>>) target(%dma_start3A_110 : memref<1000x16xf32, #tpu.memory_space<vmem_shared>>) target_semaphore(%run_scoped3A : memref<!tpu.dma_semaphore, #tpu.memory_space<semaphore_mem>>)
        %dma_wait3A = arith.constant 0 : i32
        %dma_wait3A_111 = tpu.memref_slice %arg6[%mul3A_107, %dma_wait3A] : memref<100000x16xf32, #tpu.memory_space<vmem_shared>> -> memref<1000x16xf32, #tpu.memory_space<vmem_shared>>
        %dma_wait3A_112 = arith.constant 0 : i32
        %dma_wait3A_113 = tpu.memref_slice %arg6[%mul3A_107, %dma_wait3A_112] : memref<100000x16xf32, #tpu.memory_space<vmem_shared>> -> memref<1000x16xf32, #tpu.memory_space<vmem_shared>>
        tpu.wait_dma2 semaphore(%run_scoped3A : memref<!tpu.dma_semaphore, #tpu.memory_space<semaphore_mem>>) src(%arg7 : memref<1000x16xf32, #tpu.memory_space<vmem>>) dst(%dma_wait3A_113 : memref<1000x16xf32, #tpu.memory_space<vmem_shared>>)
        tpu.yield
      }) : () -> ()
    } else {
    }
    %add3A_43 = arith.constant 96 : i32
    %add3A_44 = arith.addi %arg1, %add3A_43 : i32
    %lt3A_45 = arith.constant 100 : i32
    %lt3A_46 = arith.cmpi slt, %add3A_44, %lt3A_45 : i32
    %convert_element_type3A_47 = arith.extui %lt3A_46 : i1 to i32
    %cond3A_48 = arith.constant 0 : i32
    %cond3A_49 = arith.cmpi ne, %convert_element_type3A_47, %cond3A_48 : i32
    scf.if %cond3A_49 {
      %mul3A_106 = arith.constant 1000 : i32
      %mul3A_107 = arith.muli %add3A_44, %mul3A_106 : i32
      "tpu.region"() ({
        %run_scoped3A = tpu.sem_alloc : memref<!tpu.dma_semaphore, #tpu.memory_space<semaphore_mem>>
        %dma_start3A = arith.constant 0 : i32
        %dma_start3A_108 = tpu.memref_slice %arg6[%mul3A_107, %dma_start3A] : memref<100000x16xf32, #tpu.memory_space<vmem_shared>> -> memref<1000x16xf32, #tpu.memory_space<vmem_shared>>
        %dma_start3A_109 = arith.constant 0 : i32
        %dma_start3A_110 = tpu.memref_slice %arg6[%mul3A_107, %dma_start3A_109] : memref<100000x16xf32, #tpu.memory_space<vmem_shared>> -> memref<1000x16xf32, #tpu.memory_space<vmem_shared>>
        tpu.enqueue_dma source(%arg7 : memref<1000x16xf32, #tpu.memory_space<vmem>>) target(%dma_start3A_110 : memref<1000x16xf32, #tpu.memory_space<vmem_shared>>) target_semaphore(%run_scoped3A : memref<!tpu.dma_semaphore, #tpu.memory_space<semaphore_mem>>)
        %dma_wait3A = arith.constant 0 : i32
        %dma_wait3A_111 = tpu.memref_slice %arg6[%mul3A_107, %dma_wait3A] : memref<100000x16xf32, #tpu.memory_space<vmem_shared>> -> memref<1000x16xf32, #tpu.memory_space<vmem_shared>>
        %dma_wait3A_112 = arith.constant 0 : i32
        %dma_wait3A_113 = tpu.memref_slice %arg6[%mul3A_107, %dma_wait3A_112] : memref<100000x16xf32, #tpu.memory_space<vmem_shared>> -> memref<1000x16xf32, #tpu.memory_space<vmem_shared>>
        tpu.wait_dma2 semaphore(%run_scoped3A : memref<!tpu.dma_semaphore, #tpu.memory_space<semaphore_mem>>) src(%arg7 : memref<1000x16xf32, #tpu.memory_space<vmem>>) dst(%dma_wait3A_113 : memref<1000x16xf32, #tpu.memory_space<vmem_shared>>)
        tpu.yield
      }) : () -> ()
    } else {
    }
    %barrier3A = arith.constant 0 : index
    tpu.barrier barrier_id(%barrier3A)
    %mul3A = arith.constant 100000 : i32
    %mul3A_50 = arith.muli %arg1, %mul3A : i32
    %scan3A = arith.constant 0 : i32
    %scan3A_51 = arith.constant 0 : i32
    %scan3A_52 = arith.constant 1250 : i32
    %scan3A_53 = arith.addi %scan3A_51, %scan3A_52 : i32
    %scan3A_54 = arith.constant 1 : i32
    scf.for %scan3A_106 = %scan3A_51 to %scan3A_53 step %scan3A_54  : i32 {
      %mul3A_107 = arith.constant 80 : i32
      %mul3A_108 = arith.muli %scan3A_106, %mul3A_107 : i32
      %add3A_109 = arith.addi %mul3A_50, %mul3A_108 : i32
      "tpu.region"() ({
        %run_scoped3A = tpu.sem_alloc : memref<!tpu.dma_semaphore, #tpu.memory_space<semaphore_mem>>
        %dma_start3A_173 = tpu.memref_slice %arg3[%add3A_109] : memref<1600000xi32, #tpu.memory_space<hbm>> -> memref<80xi32, #tpu.memory_space<hbm>>
        %dma_start3A_174 = tpu.memref_slice %arg3[%add3A_109] : memref<1600000xi32, #tpu.memory_space<hbm>> -> memref<80xi32, #tpu.memory_space<hbm>>
        tpu.enqueue_dma source(%dma_start3A_174 : memref<80xi32, #tpu.memory_space<hbm>>) target(%arg8 : memref<80xi32, #tpu.memory_space<vmem>>) target_semaphore(%run_scoped3A : memref<!tpu.dma_semaphore, #tpu.memory_space<semaphore_mem>>)
        %dma_wait3A_175 = tpu.memref_slice %arg3[%add3A_109] : memref<1600000xi32, #tpu.memory_space<hbm>> -> memref<80xi32, #tpu.memory_space<hbm>>
        %dma_wait3A_176 = tpu.memref_slice %arg3[%add3A_109] : memref<1600000xi32, #tpu.memory_space<hbm>> -> memref<80xi32, #tpu.memory_space<hbm>>
        tpu.wait_dma2 semaphore(%run_scoped3A : memref<!tpu.dma_semaphore, #tpu.memory_space<semaphore_mem>>) src(%dma_wait3A_176 : memref<80xi32, #tpu.memory_space<hbm>>) dst(%arg8 : memref<80xi32, #tpu.memory_space<vmem>>)
        tpu.yield
      }) : () -> ()
      "tpu.region"() ({
        %run_scoped3A = tpu.sem_alloc : memref<!tpu.dma_semaphore, #tpu.memory_space<semaphore_mem>>
        %dma_start3A_173 = tpu.memref_slice %arg4[%add3A_109] : memref<1600000xi32, #tpu.memory_space<hbm>> -> memref<80xi32, #tpu.memory_space<hbm>>
        %dma_start3A_174 = tpu.memref_slice %arg4[%add3A_109] : memref<1600000xi32, #tpu.memory_space<hbm>> -> memref<80xi32, #tpu.memory_space<hbm>>
        tpu.enqueue_dma source(%dma_start3A_174 : memref<80xi32, #tpu.memory_space<hbm>>) target(%arg9 : memref<80xi32, #tpu.memory_space<vmem>>) target_semaphore(%run_scoped3A : memref<!tpu.dma_semaphore, #tpu.memory_space<semaphore_mem>>)
        %dma_wait3A_175 = tpu.memref_slice %arg4[%add3A_109] : memref<1600000xi32, #tpu.memory_space<hbm>> -> memref<80xi32, #tpu.memory_space<hbm>>
        %dma_wait3A_176 = tpu.memref_slice %arg4[%add3A_109] : memref<1600000xi32, #tpu.memory_space<hbm>> -> memref<80xi32, #tpu.memory_space<hbm>>
        tpu.wait_dma2 semaphore(%run_scoped3A : memref<!tpu.dma_semaphore, #tpu.memory_space<semaphore_mem>>) src(%dma_wait3A_176 : memref<80xi32, #tpu.memory_space<hbm>>) dst(%arg9 : memref<80xi32, #tpu.memory_space<vmem>>)
        tpu.yield
      }) : () -> ()
      %get3A = arith.constant 0 : index
      %get3A_110 = tpu.vector_load %arg8[%get3A] {strides = array<i32>} : memref<80xi32, #tpu.memory_space<vmem>>, vector<16xi32>,
      %get3A_111 = vector.shape_cast %get3A_110 : vector<16xi32> to vector<16xi32>
      %mul3A_112 = arith.constant 2 : i32
      %mul3A_113 = vector.broadcast %mul3A_112 : i32 to vector<16xi32>
      %mul3A_114 = arith.muli %get3A_111, %mul3A_113 : vector<16xi32>
      %add3A_115 = vector.broadcast %arg0 : i32 to vector<16xi32>
      %add3A_116 = arith.addi %mul3A_114, %add3A_115 : vector<16xi32>
      %swap3A_117 = arith.constant 0 : index
      %swap3A_118 = tpu.vector_load %arg10[%swap3A_117] {strides = array<i32>} : memref<80xi32, #tpu.memory_space<vmem>>, vector<16xi32>,
      %swap3A_119 = vector.shape_cast %swap3A_118 : vector<16xi32> to vector<16xi32>
      %swap3A_120 = vector.shape_cast %add3A_116 : vector<16xi32> to vector<16xi32>
      tpu.vector_store %arg10[%swap3A_117], %swap3A_120 {strides = array<i32>} : memref<80xi32, #tpu.memory_space<vmem>>, vector<16xi32>,
      %get3A_121 = arith.constant 16 : index
      %get3A_122 = tpu.vector_load %arg8[%get3A_121] {strides = array<i32>} : memref<80xi32, #tpu.memory_space<vmem>>, vector<16xi32>,
      %get3A_123 = vector.shape_cast %get3A_122 : vector<16xi32> to vector<16xi32>
      %mul3A_124 = arith.constant 2 : i32
      %mul3A_125 = vector.broadcast %mul3A_124 : i32 to vector<16xi32>
      %mul3A_126 = arith.muli %get3A_123, %mul3A_125 : vector<16xi32>
      %add3A_127 = vector.broadcast %arg0 : i32 to vector<16xi32>
      %add3A_128 = arith.addi %mul3A_126, %add3A_127 : vector<16xi32>
      %swap3A_129 = arith.constant 16 : index
      %swap3A_130 = tpu.vector_load %arg10[%swap3A_129] {strides = array<i32>} : memref<80xi32, #tpu.memory_space<vmem>>, vector<16xi32>,
      %swap3A_131 = vector.shape_cast %swap3A_130 : vector<16xi32> to vector<16xi32>
      %swap3A_132 = vector.shape_cast %add3A_128 : vector<16xi32> to vector<16xi32>
      tpu.vector_store %arg10[%swap3A_129], %swap3A_132 {strides = array<i32>} : memref<80xi32, #tpu.memory_space<vmem>>, vector<16xi32>,
      %get3A_133 = arith.constant 32 : index
      %get3A_134 = tpu.vector_load %arg8[%get3A_133] {strides = array<i32>} : memref<80xi32, #tpu.memory_space<vmem>>, vector<16xi32>,
      %get3A_135 = vector.shape_cast %get3A_134 : vector<16xi32> to vector<16xi32>
      %mul3A_136 = arith.constant 2 : i32
      %mul3A_137 = vector.broadcast %mul3A_136 : i32 to vector<16xi32>
      %mul3A_138 = arith.muli %get3A_135, %mul3A_137 : vector<16xi32>
      %add3A_139 = vector.broadcast %arg0 : i32 to vector<16xi32>
      %add3A_140 = arith.addi %mul3A_138, %add3A_139 : vector<16xi32>
      %swap3A_141 = arith.constant 32 : index
      %swap3A_142 = tpu.vector_load %arg10[%swap3A_141] {strides = array<i32>} : memref<80xi32, #tpu.memory_space<vmem>>, vector<16xi32>,
      %swap3A_143 = vector.shape_cast %swap3A_142 : vector<16xi32> to vector<16xi32>
      %swap3A_144 = vector.shape_cast %add3A_140 : vector<16xi32> to vector<16xi32>
      tpu.vector_store %arg10[%swap3A_141], %swap3A_144 {strides = array<i32>} : memref<80xi32, #tpu.memory_space<vmem>>, vector<16xi32>,
      %get3A_145 = arith.constant 48 : index
      %get3A_146 = tpu.vector_load %arg8[%get3A_145] {strides = array<i32>} : memref<80xi32, #tpu.memory_space<vmem>>, vector<16xi32>,
      %get3A_147 = vector.shape_cast %get3A_146 : vector<16xi32> to vector<16xi32>
      %mul3A_148 = arith.constant 2 : i32
      %mul3A_149 = vector.broadcast %mul3A_148 : i32 to vector<16xi32>
      %mul3A_150 = arith.muli %get3A_147, %mul3A_149 : vector<16xi32>
      %add3A_151 = vector.broadcast %arg0 : i32 to vector<16xi32>
      %add3A_152 = arith.addi %mul3A_150, %add3A_151 : vector<16xi32>
      %swap3A_153 = arith.constant 48 : index
      %swap3A_154 = tpu.vector_load %arg10[%swap3A_153] {strides = array<i32>} : memref<80xi32, #tpu.memory_space<vmem>>, vector<16xi32>,
      %swap3A_155 = vector.shape_cast %swap3A_154 : vector<16xi32> to vector<16xi32>
      %swap3A_156 = vector.shape_cast %add3A_152 : vector<16xi32> to vector<16xi32>
      tpu.vector_store %arg10[%swap3A_153], %swap3A_156 {strides = array<i32>} : memref<80xi32, #tpu.memory_space<vmem>>, vector<16xi32>,
      %get3A_157 = arith.constant 64 : index
      %get3A_158 = tpu.vector_load %arg8[%get3A_157] {strides = array<i32>} : memref<80xi32, #tpu.memory_space<vmem>>, vector<16xi32>,
      %get3A_159 = vector.shape_cast %get3A_158 : vector<16xi32> to vector<16xi32>
      %mul3A_160 = arith.constant 2 : i32
      %mul3A_161 = vector.broadcast %mul3A_160 : i32 to vector<16xi32>
      %mul3A_162 = arith.muli %get3A_159, %mul3A_161 : vector<16xi32>
      %add3A_163 = vector.broadcast %arg0 : i32 to vector<16xi32>
      %add3A_164 = arith.addi %mul3A_162, %add3A_163 : vector<16xi32>
      %swap3A_165 = arith.constant 64 : index
      %swap3A_166 = tpu.vector_load %arg10[%swap3A_165] {strides = array<i32>} : memref<80xi32, #tpu.memory_space<vmem>>, vector<16xi32>,
      %swap3A_167 = vector.shape_cast %swap3A_166 : vector<16xi32> to vector<16xi32>
      %swap3A_168 = vector.shape_cast %add3A_164 : vector<16xi32> to vector<16xi32>
      tpu.vector_store %arg10[%swap3A_165], %swap3A_168 {strides = array<i32>} : memref<80xi32, #tpu.memory_space<vmem>>, vector<16xi32>,
      %dma_start3A = arith.constant 0 : i32
      %dma_start3A_169 = arith.constant 0 : i32
      %dma_start3A_170 = tpu.memref_slice %arg2[%dma_start3A, %dma_start3A_169] : memref<200000x16xf32, #tpu.memory_space<hbm>> -> memref<200000x16xf32, #tpu.memory_space<hbm>>
      tpu.enqueue_indirect_dma source(%dma_start3A_170 : memref<200000x16xf32, #tpu.memory_space<hbm>>) target(%arg11 : memref<80x16xf32, #tpu.memory_space<vmem>>) offsets(%arg10 : memref<80xi32, #tpu.memory_space<vmem>>) semaphore(%arg12 : memref<!tpu.dma_semaphore, #tpu.memory_space<semaphore_mem>>)
      %dma_wait3A = arith.constant 0 : i32
      %dma_wait3A_171 = arith.constant 0 : i32
      %dma_wait3A_172 = tpu.memref_slice %arg2[%dma_wait3A, %dma_wait3A_171] : memref<200000x16xf32, #tpu.memory_space<hbm>> -> memref<200000x16xf32, #tpu.memory_space<hbm>>
      tpu.wait_indirect_dma semaphore(%arg12 : memref<!tpu.dma_semaphore, #tpu.memory_space<semaphore_mem>>) src(%dma_wait3A_172 : memref<200000x16xf32, #tpu.memory_space<hbm>>) dst(%arg11 : memref<80x16xf32, #tpu.memory_space<vmem>>)
      "tpu.region"() ({
        %run_scoped3A = tpu.sem_alloc : memref<!tpu.dma_semaphore, #tpu.memory_space<semaphore_mem>>
        %dma_start3A_173 = arith.constant 0 : i32
        %dma_start3A_174 = arith.constant 0 : i32
        %dma_start3A_175 = tpu.memref_slice %arg6[%dma_start3A_173, %dma_start3A_174] : memref<100000x16xf32, #tpu.memory_space<vmem_shared>> -> memref<100000x16xf32, #tpu.memory_space<vmem_shared>>
        tpu.enqueue_indirect_dma source(%arg11 : memref<80x16xf32, #tpu.memory_space<vmem>>) target(%dma_start3A_175 : memref<100000x16xf32, #tpu.memory_space<vmem_shared>>) offsets(%arg9 : memref<80xi32, #tpu.memory_space<vmem>>) semaphore(%run_scoped3A : memref<!tpu.dma_semaphore, #tpu.memory_space<semaphore_mem>>) {add = true}
        %dma_wait3A_176 = arith.constant 0 : i32
        %dma_wait3A_177 = arith.constant 0 : i32
        %dma_wait3A_178 = tpu.memref_slice %arg6[%dma_wait3A_176, %dma_wait3A_177] : memref<100000x16xf32, #tpu.memory_space<vmem_shared>> -> memref<100000x16xf32, #tpu.memory_space<vmem_shared>>
        tpu.wait_indirect_dma semaphore(%run_scoped3A : memref<!tpu.dma_semaphore, #tpu.memory_space<semaphore_mem>>) src(%arg11 : memref<80x16xf32, #tpu.memory_space<vmem>>) dst(%dma_wait3A_178 : memref<100000x16xf32, #tpu.memory_space<vmem_shared>>)
        tpu.yield
      }) : () -> ()
    }
    %scan3A_55 = arith.constant 1250 : i32
    %barrier3A_56 = arith.constant 0 : index
    tpu.barrier barrier_id(%barrier3A_56)
    %add3A_57 = arith.constant 0 : i32
    %add3A_58 = arith.addi %arg1, %add3A_57 : i32
    %lt3A_59 = arith.constant 100 : i32
    %lt3A_60 = arith.cmpi slt, %add3A_58, %lt3A_59 : i32
    %convert_element_type3A_61 = arith.extui %lt3A_60 : i1 to i32
    %cond3A_62 = arith.constant 0 : i32
    %cond3A_63 = arith.cmpi ne, %convert_element_type3A_61, %cond3A_62 : i32
    scf.if %cond3A_63 {
      %mul3A_106 = arith.constant 1000 : i32
      %mul3A_107 = arith.muli %add3A_58, %mul3A_106 : i32
      "tpu.region"() ({
        %run_scoped3A = tpu.sem_alloc : memref<!tpu.dma_semaphore, #tpu.memory_space<semaphore_mem>>
        %dma_start3A = arith.constant 0 : i32
        %dma_start3A_108 = tpu.memref_slice %arg5[%arg0, %mul3A_107, %dma_start3A] : memref<2x100000x16xf32, #tpu.memory_space<hbm>> -> memref<1x1000x16xf32, #tpu.memory_space<hbm>>
        %dma_start3A_109 = tpu.memref_squeeze %dma_start3A_108 : memref<1x1000x16xf32, #tpu.memory_space<hbm>> -> memref<1000x16xf32, #tpu.memory_space<hbm>>
        %dma_start3A_110 = arith.constant 0 : i32
        %dma_start3A_111 = tpu.memref_slice %arg6[%mul3A_107, %dma_start3A_110] : memref<100000x16xf32, #tpu.memory_space<vmem_shared>> -> memref<1000x16xf32, #tpu.memory_space<vmem_shared>>
        tpu.enqueue_dma source(%dma_start3A_111 : memref<1000x16xf32, #tpu.memory_space<vmem_shared>>) target(%dma_start3A_109 : memref<1000x16xf32, #tpu.memory_space<hbm>>) target_semaphore(%run_scoped3A : memref<!tpu.dma_semaphore, #tpu.memory_space<semaphore_mem>>)
        %dma_wait3A = arith.constant 0 : i32
        %dma_wait3A_112 = tpu.memref_slice %arg5[%arg0, %mul3A_107, %dma_wait3A] : memref<2x100000x16xf32, #tpu.memory_space<hbm>> -> memref<1x1000x16xf32, #tpu.memory_space<hbm>>
        %dma_wait3A_113 = tpu.memref_squeeze %dma_wait3A_112 : memref<1x1000x16xf32, #tpu.memory_space<hbm>> -> memref<1000x16xf32, #tpu.memory_space<hbm>>
        %dma_wait3A_114 = arith.constant 0 : i32
        %dma_wait3A_115 = tpu.memref_slice %arg6[%mul3A_107, %dma_wait3A_114] : memref<100000x16xf32, #tpu.memory_space<vmem_shared>> -> memref<1000x16xf32, #tpu.memory_space<vmem_shared>>
        tpu.wait_dma2 semaphore(%run_scoped3A : memref<!tpu.dma_semaphore, #tpu.memory_space<semaphore_mem>>) src(%dma_wait3A_115 : memref<1000x16xf32, #tpu.memory_space<vmem_shared>>) dst(%dma_wait3A_113 : memref<1000x16xf32, #tpu.memory_space<hbm>>)
        tpu.yield
      }) : () -> ()
    } else {
    }
    %add3A_64 = arith.constant 16 : i32
    %add3A_65 = arith.addi %arg1, %add3A_64 : i32
    %lt3A_66 = arith.constant 100 : i32
    %lt3A_67 = arith.cmpi slt, %add3A_65, %lt3A_66 : i32
    %convert_element_type3A_68 = arith.extui %lt3A_67 : i1 to i32
    %cond3A_69 = arith.constant 0 : i32
    %cond3A_70 = arith.cmpi ne, %convert_element_type3A_68, %cond3A_69 : i32
    scf.if %cond3A_70 {
      %mul3A_106 = arith.constant 1000 : i32
      %mul3A_107 = arith.muli %add3A_65, %mul3A_106 : i32
      "tpu.region"() ({
        %run_scoped3A = tpu.sem_alloc : memref<!tpu.dma_semaphore, #tpu.memory_space<semaphore_mem>>
        %dma_start3A = arith.constant 0 : i32
        %dma_start3A_108 = tpu.memref_slice %arg5[%arg0, %mul3A_107, %dma_start3A] : memref<2x100000x16xf32, #tpu.memory_space<hbm>> -> memref<1x1000x16xf32, #tpu.memory_space<hbm>>
        %dma_start3A_109 = tpu.memref_squeeze %dma_start3A_108 : memref<1x1000x16xf32, #tpu.memory_space<hbm>> -> memref<1000x16xf32, #tpu.memory_space<hbm>>
        %dma_start3A_110 = arith.constant 0 : i32
        %dma_start3A_111 = tpu.memref_slice %arg6[%mul3A_107, %dma_start3A_110] : memref<100000x16xf32, #tpu.memory_space<vmem_shared>> -> memref<1000x16xf32, #tpu.memory_space<vmem_shared>>
        tpu.enqueue_dma source(%dma_start3A_111 : memref<1000x16xf32, #tpu.memory_space<vmem_shared>>) target(%dma_start3A_109 : memref<1000x16xf32, #tpu.memory_space<hbm>>) target_semaphore(%run_scoped3A : memref<!tpu.dma_semaphore, #tpu.memory_space<semaphore_mem>>)
        %dma_wait3A = arith.constant 0 : i32
        %dma_wait3A_112 = tpu.memref_slice %arg5[%arg0, %mul3A_107, %dma_wait3A] : memref<2x100000x16xf32, #tpu.memory_space<hbm>> -> memref<1x1000x16xf32, #tpu.memory_space<hbm>>
        %dma_wait3A_113 = tpu.memref_squeeze %dma_wait3A_112 : memref<1x1000x16xf32, #tpu.memory_space<hbm>> -> memref<1000x16xf32, #tpu.memory_space<hbm>>
        %dma_wait3A_114 = arith.constant 0 : i32
        %dma_wait3A_115 = tpu.memref_slice %arg6[%mul3A_107, %dma_wait3A_114] : memref<100000x16xf32, #tpu.memory_space<vmem_shared>> -> memref<1000x16xf32, #tpu.memory_space<vmem_shared>>
        tpu.wait_dma2 semaphore(%run_scoped3A : memref<!tpu.dma_semaphore, #tpu.memory_space<semaphore_mem>>) src(%dma_wait3A_115 : memref<1000x16xf32, #tpu.memory_space<vmem_shared>>) dst(%dma_wait3A_113 : memref<1000x16xf32, #tpu.memory_space<hbm>>)
        tpu.yield
      }) : () -> ()
    } else {
    }
    %add3A_71 = arith.constant 32 : i32
    %add3A_72 = arith.addi %arg1, %add3A_71 : i32
    %lt3A_73 = arith.constant 100 : i32
    %lt3A_74 = arith.cmpi slt, %add3A_72, %lt3A_73 : i32
    %convert_element_type3A_75 = arith.extui %lt3A_74 : i1 to i32
    %cond3A_76 = arith.constant 0 : i32
    %cond3A_77 = arith.cmpi ne, %convert_element_type3A_75, %cond3A_76 : i32
    scf.if %cond3A_77 {
      %mul3A_106 = arith.constant 1000 : i32
      %mul3A_107 = arith.muli %add3A_72, %mul3A_106 : i32
      "tpu.region"() ({
        %run_scoped3A = tpu.sem_alloc : memref<!tpu.dma_semaphore, #tpu.memory_space<semaphore_mem>>
        %dma_start3A = arith.constant 0 : i32
        %dma_start3A_108 = tpu.memref_slice %arg5[%arg0, %mul3A_107, %dma_start3A] : memref<2x100000x16xf32, #tpu.memory_space<hbm>> -> memref<1x1000x16xf32, #tpu.memory_space<hbm>>
        %dma_start3A_109 = tpu.memref_squeeze %dma_start3A_108 : memref<1x1000x16xf32, #tpu.memory_space<hbm>> -> memref<1000x16xf32, #tpu.memory_space<hbm>>
        %dma_start3A_110 = arith.constant 0 : i32
        %dma_start3A_111 = tpu.memref_slice %arg6[%mul3A_107, %dma_start3A_110] : memref<100000x16xf32, #tpu.memory_space<vmem_shared>> -> memref<1000x16xf32, #tpu.memory_space<vmem_shared>>
        tpu.enqueue_dma source(%dma_start3A_111 : memref<1000x16xf32, #tpu.memory_space<vmem_shared>>) target(%dma_start3A_109 : memref<1000x16xf32, #tpu.memory_space<hbm>>) target_semaphore(%run_scoped3A : memref<!tpu.dma_semaphore, #tpu.memory_space<semaphore_mem>>)
        %dma_wait3A = arith.constant 0 : i32
        %dma_wait3A_112 = tpu.memref_slice %arg5[%arg0, %mul3A_107, %dma_wait3A] : memref<2x100000x16xf32, #tpu.memory_space<hbm>> -> memref<1x1000x16xf32, #tpu.memory_space<hbm>>
        %dma_wait3A_113 = tpu.memref_squeeze %dma_wait3A_112 : memref<1x1000x16xf32, #tpu.memory_space<hbm>> -> memref<1000x16xf32, #tpu.memory_space<hbm>>
        %dma_wait3A_114 = arith.constant 0 : i32
        %dma_wait3A_115 = tpu.memref_slice %arg6[%mul3A_107, %dma_wait3A_114] : memref<100000x16xf32, #tpu.memory_space<vmem_shared>> -> memref<1000x16xf32, #tpu.memory_space<vmem_shared>>
        tpu.wait_dma2 semaphore(%run_scoped3A : memref<!tpu.dma_semaphore, #tpu.memory_space<semaphore_mem>>) src(%dma_wait3A_115 : memref<1000x16xf32, #tpu.memory_space<vmem_shared>>) dst(%dma_wait3A_113 : memref<1000x16xf32, #tpu.memory_space<hbm>>)
        tpu.yield
      }) : () -> ()
    } else {
    }
    %add3A_78 = arith.constant 48 : i32
    %add3A_79 = arith.addi %arg1, %add3A_78 : i32
    %lt3A_80 = arith.constant 100 : i32
    %lt3A_81 = arith.cmpi slt, %add3A_79, %lt3A_80 : i32
    %convert_element_type3A_82 = arith.extui %lt3A_81 : i1 to i32
    %cond3A_83 = arith.constant 0 : i32
    %cond3A_84 = arith.cmpi ne, %convert_element_type3A_82, %cond3A_83 : i32
    scf.if %cond3A_84 {
      %mul3A_106 = arith.constant 1000 : i32
      %mul3A_107 = arith.muli %add3A_79, %mul3A_106 : i32
      "tpu.region"() ({
        %run_scoped3A = tpu.sem_alloc : memref<!tpu.dma_semaphore, #tpu.memory_space<semaphore_mem>>
        %dma_start3A = arith.constant 0 : i32
        %dma_start3A_108 = tpu.memref_slice %arg5[%arg0, %mul3A_107, %dma_start3A] : memref<2x100000x16xf32, #tpu.memory_space<hbm>> -> memref<1x1000x16xf32, #tpu.memory_space<hbm>>
        %dma_start3A_109 = tpu.memref_squeeze %dma_start3A_108 : memref<1x1000x16xf32, #tpu.memory_space<hbm>> -> memref<1000x16xf32, #tpu.memory_space<hbm>>
        %dma_start3A_110 = arith.constant 0 : i32
        %dma_start3A_111 = tpu.memref_slice %arg6[%mul3A_107, %dma_start3A_110] : memref<100000x16xf32, #tpu.memory_space<vmem_shared>> -> memref<1000x16xf32, #tpu.memory_space<vmem_shared>>
        tpu.enqueue_dma source(%dma_start3A_111 : memref<1000x16xf32, #tpu.memory_space<vmem_shared>>) target(%dma_start3A_109 : memref<1000x16xf32, #tpu.memory_space<hbm>>) target_semaphore(%run_scoped3A : memref<!tpu.dma_semaphore, #tpu.memory_space<semaphore_mem>>)
        %dma_wait3A = arith.constant 0 : i32
        %dma_wait3A_112 = tpu.memref_slice %arg5[%arg0, %mul3A_107, %dma_wait3A] : memref<2x100000x16xf32, #tpu.memory_space<hbm>> -> memref<1x1000x16xf32, #tpu.memory_space<hbm>>
        %dma_wait3A_113 = tpu.memref_squeeze %dma_wait3A_112 : memref<1x1000x16xf32, #tpu.memory_space<hbm>> -> memref<1000x16xf32, #tpu.memory_space<hbm>>
        %dma_wait3A_114 = arith.constant 0 : i32
        %dma_wait3A_115 = tpu.memref_slice %arg6[%mul3A_107, %dma_wait3A_114] : memref<100000x16xf32, #tpu.memory_space<vmem_shared>> -> memref<1000x16xf32, #tpu.memory_space<vmem_shared>>
        tpu.wait_dma2 semaphore(%run_scoped3A : memref<!tpu.dma_semaphore, #tpu.memory_space<semaphore_mem>>) src(%dma_wait3A_115 : memref<1000x16xf32, #tpu.memory_space<vmem_shared>>) dst(%dma_wait3A_113 : memref<1000x16xf32, #tpu.memory_space<hbm>>)
        tpu.yield
      }) : () -> ()
    } else {
    }
    %add3A_85 = arith.constant 64 : i32
    %add3A_86 = arith.addi %arg1, %add3A_85 : i32
    %lt3A_87 = arith.constant 100 : i32
    %lt3A_88 = arith.cmpi slt, %add3A_86, %lt3A_87 : i32
    %convert_element_type3A_89 = arith.extui %lt3A_88 : i1 to i32
    %cond3A_90 = arith.constant 0 : i32
    %cond3A_91 = arith.cmpi ne, %convert_element_type3A_89, %cond3A_90 : i32
    scf.if %cond3A_91 {
      %mul3A_106 = arith.constant 1000 : i32
      %mul3A_107 = arith.muli %add3A_86, %mul3A_106 : i32
      "tpu.region"() ({
        %run_scoped3A = tpu.sem_alloc : memref<!tpu.dma_semaphore, #tpu.memory_space<semaphore_mem>>
        %dma_start3A = arith.constant 0 : i32
        %dma_start3A_108 = tpu.memref_slice %arg5[%arg0, %mul3A_107, %dma_start3A] : memref<2x100000x16xf32, #tpu.memory_space<hbm>> -> memref<1x1000x16xf32, #tpu.memory_space<hbm>>
        %dma_start3A_109 = tpu.memref_squeeze %dma_start3A_108 : memref<1x1000x16xf32, #tpu.memory_space<hbm>> -> memref<1000x16xf32, #tpu.memory_space<hbm>>
        %dma_start3A_110 = arith.constant 0 : i32
        %dma_start3A_111 = tpu.memref_slice %arg6[%mul3A_107, %dma_start3A_110] : memref<100000x16xf32, #tpu.memory_space<vmem_shared>> -> memref<1000x16xf32, #tpu.memory_space<vmem_shared>>
        tpu.enqueue_dma source(%dma_start3A_111 : memref<1000x16xf32, #tpu.memory_space<vmem_shared>>) target(%dma_start3A_109 : memref<1000x16xf32, #tpu.memory_space<hbm>>) target_semaphore(%run_scoped3A : memref<!tpu.dma_semaphore, #tpu.memory_space<semaphore_mem>>)
        %dma_wait3A = arith.constant 0 : i32
        %dma_wait3A_112 = tpu.memref_slice %arg5[%arg0, %mul3A_107, %dma_wait3A] : memref<2x100000x16xf32, #tpu.memory_space<hbm>> -> memref<1x1000x16xf32, #tpu.memory_space<hbm>>
        %dma_wait3A_113 = tpu.memref_squeeze %dma_wait3A_112 : memref<1x1000x16xf32, #tpu.memory_space<hbm>> -> memref<1000x16xf32, #tpu.memory_space<hbm>>
        %dma_wait3A_114 = arith.constant 0 : i32
        %dma_wait3A_115 = tpu.memref_slice %arg6[%mul3A_107, %dma_wait3A_114] : memref<100000x16xf32, #tpu.memory_space<vmem_shared>> -> memref<1000x16xf32, #tpu.memory_space<vmem_shared>>
        tpu.wait_dma2 semaphore(%run_scoped3A : memref<!tpu.dma_semaphore, #tpu.memory_space<semaphore_mem>>) src(%dma_wait3A_115 : memref<1000x16xf32, #tpu.memory_space<vmem_shared>>) dst(%dma_wait3A_113 : memref<1000x16xf32, #tpu.memory_space<hbm>>)
        tpu.yield
      }) : () -> ()
    } else {
    }
    %add3A_92 = arith.constant 80 : i32
    %add3A_93 = arith.addi %arg1, %add3A_92 : i32
    %lt3A_94 = arith.constant 100 : i32
    %lt3A_95 = arith.cmpi slt, %add3A_93, %lt3A_94 : i32
    %convert_element_type3A_96 = arith.extui %lt3A_95 : i1 to i32
    %cond3A_97 = arith.constant 0 : i32
    %cond3A_98 = arith.cmpi ne, %convert_element_type3A_96, %cond3A_97 : i32
    scf.if %cond3A_98 {
      %mul3A_106 = arith.constant 1000 : i32
      %mul3A_107 = arith.muli %add3A_93, %mul3A_106 : i32
      "tpu.region"() ({
        %run_scoped3A = tpu.sem_alloc : memref<!tpu.dma_semaphore, #tpu.memory_space<semaphore_mem>>
        %dma_start3A = arith.constant 0 : i32
        %dma_start3A_108 = tpu.memref_slice %arg5[%arg0, %mul3A_107, %dma_start3A] : memref<2x100000x16xf32, #tpu.memory_space<hbm>> -> memref<1x1000x16xf32, #tpu.memory_space<hbm>>
        %dma_start3A_109 = tpu.memref_squeeze %dma_start3A_108 : memref<1x1000x16xf32, #tpu.memory_space<hbm>> -> memref<1000x16xf32, #tpu.memory_space<hbm>>
        %dma_start3A_110 = arith.constant 0 : i32
        %dma_start3A_111 = tpu.memref_slice %arg6[%mul3A_107, %dma_start3A_110] : memref<100000x16xf32, #tpu.memory_space<vmem_shared>> -> memref<1000x16xf32, #tpu.memory_space<vmem_shared>>
        tpu.enqueue_dma source(%dma_start3A_111 : memref<1000x16xf32, #tpu.memory_space<vmem_shared>>) target(%dma_start3A_109 : memref<1000x16xf32, #tpu.memory_space<hbm>>) target_semaphore(%run_scoped3A : memref<!tpu.dma_semaphore, #tpu.memory_space<semaphore_mem>>)
        %dma_wait3A = arith.constant 0 : i32
        %dma_wait3A_112 = tpu.memref_slice %arg5[%arg0, %mul3A_107, %dma_wait3A] : memref<2x100000x16xf32, #tpu.memory_space<hbm>> -> memref<1x1000x16xf32, #tpu.memory_space<hbm>>
        %dma_wait3A_113 = tpu.memref_squeeze %dma_wait3A_112 : memref<1x1000x16xf32, #tpu.memory_space<hbm>> -> memref<1000x16xf32, #tpu.memory_space<hbm>>
        %dma_wait3A_114 = arith.constant 0 : i32
        %dma_wait3A_115 = tpu.memref_slice %arg6[%mul3A_107, %dma_wait3A_114] : memref<100000x16xf32, #tpu.memory_space<vmem_shared>> -> memref<1000x16xf32, #tpu.memory_space<vmem_shared>>
        tpu.wait_dma2 semaphore(%run_scoped3A : memref<!tpu.dma_semaphore, #tpu.memory_space<semaphore_mem>>) src(%dma_wait3A_115 : memref<1000x16xf32, #tpu.memory_space<vmem_shared>>) dst(%dma_wait3A_113 : memref<1000x16xf32, #tpu.memory_space<hbm>>)
        tpu.yield
      }) : () -> ()
    } else {
    }
    %add3A_99 = arith.constant 96 : i32
    %add3A_100 = arith.addi %arg1, %add3A_99 : i32
    %lt3A_101 = arith.constant 100 : i32
    %lt3A_102 = arith.cmpi slt, %add3A_100, %lt3A_101 : i32
    %convert_element_type3A_103 = arith.extui %lt3A_102 : i1 to i32
    %cond3A_104 = arith.constant 0 : i32
    %cond3A_105 = arith.cmpi ne, %convert_element_type3A_103, %cond3A_104 : i32
    scf.if %cond3A_105 {
      %mul3A_106 = arith.constant 1000 : i32
      %mul3A_107 = arith.muli %add3A_100, %mul3A_106 : i32
      "tpu.region"() ({
        %run_scoped3A = tpu.sem_alloc : memref<!tpu.dma_semaphore, #tpu.memory_space<semaphore_mem>>
        %dma_start3A = arith.constant 0 : i32
        %dma_start3A_108 = tpu.memref_slice %arg5[%arg0, %mul3A_107, %dma_start3A] : memref<2x100000x16xf32, #tpu.memory_space<hbm>> -> memref<1x1000x16xf32, #tpu.memory_space<hbm>>
        %dma_start3A_109 = tpu.memref_squeeze %dma_start3A_108 : memref<1x1000x16xf32, #tpu.memory_space<hbm>> -> memref<1000x16xf32, #tpu.memory_space<hbm>>
        %dma_start3A_110 = arith.constant 0 : i32
        %dma_start3A_111 = tpu.memref_slice %arg6[%mul3A_107, %dma_start3A_110] : memref<100000x16xf32, #tpu.memory_space<vmem_shared>> -> memref<1000x16xf32, #tpu.memory_space<vmem_shared>>
        tpu.enqueue_dma source(%dma_start3A_111 : memref<1000x16xf32, #tpu.memory_space<vmem_shared>>) target(%dma_start3A_109 : memref<1000x16xf32, #tpu.memory_space<hbm>>) target_semaphore(%run_scoped3A : memref<!tpu.dma_semaphore, #tpu.memory_space<semaphore_mem>>)
        %dma_wait3A = arith.constant 0 : i32
        %dma_wait3A_112 = tpu.memref_slice %arg5[%arg0, %mul3A_107, %dma_wait3A] : memref<2x100000x16xf32, #tpu.memory_space<hbm>> -> memref<1x1000x16xf32, #tpu.memory_space<hbm>>
        %dma_wait3A_113 = tpu.memref_squeeze %dma_wait3A_112 : memref<1x1000x16xf32, #tpu.memory_space<hbm>> -> memref<1000x16xf32, #tpu.memory_space<hbm>>
        %dma_wait3A_114 = arith.constant 0 : i32
        %dma_wait3A_115 = tpu.memref_slice %arg6[%mul3A_107, %dma_wait3A_114] : memref<100000x16xf32, #tpu.memory_space<vmem_shared>> -> memref<1000x16xf32, #tpu.memory_space<vmem_shared>>
        tpu.wait_dma2 semaphore(%run_scoped3A : memref<!tpu.dma_semaphore, #tpu.memory_space<semaphore_mem>>) src(%dma_wait3A_115 : memref<1000x16xf32, #tpu.memory_space<vmem_shared>>) dst(%dma_wait3A_113 : memref<1000x16xf32, #tpu.memory_space<hbm>>)
        tpu.yield
      }) : () -> ()
    } else {
    }
    return
  }
}

</mosaic_0001>

<sc_bundles>
// kernel: _feat_conv.3.cloned.1.call-start
scs
__scs_entry_jumppad:
0x0: {  	(pc) =	sbr.rel $0x88, $3  }
0x1: {  	(tag) =	ssettag $0x0;
	lr =	simm.s32 $0x1  }
0x2: {  	[smem:$0x3F9E] =	sst lr;
	_ =	strace $0xD0000000  }
0x3: {  	_ = 	snop  }
0x4: {  	_ = 	snop  }
0x5: {  	_ = 	snop  }
0x6: {  	_ = 	snop  }
0x7: {  	_ = 	snop  }
__scs_overlays_trampoline_lowered:
0x8: {  	[smem:$0x3FAD] =	sst s0  }
0x9: {  	[smem:$0x3FAE] =	sst s1  }
0xa: {  	[smem:$0x3FAF] =	sst s2  }
0xb: {  	[smem:$0x3FB0] =	sst s3  }
0xc: {  	[smem:$0x3FB1] =	sst s4  }
0xd: {  	[smem:$0x3FB2] =	sst s5  }
0xe: {  	[smem:$0x3FB3] =	sst s6  }
0xf: {  	[smem:$0x3FB4] =	sst s7  }
0x10: {  	[smem:$0x3FB5] =	sst s8  }
0x11: {  	[smem:$0x3FB6] =	sst s9;
	s0 =	simm.s32 @!p0 $0x0  }
0x12: {  	s1 =	sld [smem:$0x3F9C];
	s0 =	simm.s32 @p0 $0x1  }
0x13: {  	[smem:$0x3FB7] =	sst s0;
	s0 =	simm.s32 @!p1 $0x0  }
0x14: {  	s2 =	sld [smem:$0x3F9B];
	s0 =	simm.s32 @p1 $0x1  }
0x15: {  	[smem:$0x3FB8] =	sst s0;
	s0 =	simm.s32 @!p2 $0x0  }
0x16: {  	s3 =	sld [smem:$0x3FDB];
	s0 =	simm.s32 @p2 $0x1  }
0x17: {  	s4 =	simm.s32 $0x1BF5;
	[smem:$0x3FBA] =	sst s0  }
0x18: {  	s0 =	sld [smem:$0x3F9D];
	_ =	swait.ge [sflag:s4], $0x0  }
0x19: {  	s7 =	sld [smem:$0x3F9E]  }
0x1a: {  	s8 =	sadd.s32 $0xFFFFE003, lr  }
0x1b: {  	s9 =	sadd.s32 $0xFFFFFEF7, lr;
	s5 =	simm.s32 $0xFFFFFFFF;
	p2 =	slt.u32 s8, $0xFFFFF086  }
0x1c: {  	p1 =	slt.u32 s9, $0xF7A;
	s5 =	simm.s32 @!p2 $0x0  }
0x1d: {  	s5 =	simm.s32 @p1 $0x1;
	p0 =	seq.s32 s7, s2  }
0x1e: {  	s7 =	smul.u32 @!p0 $0xF7A, s2;
	p2 =	seq.s32 @!p0 s5, $0x0  }
0x1f: {  	s9 =	smul.u32 $0xF7A, s1;
	s8 =	simm.s32 @!p0 $0x1BF5;
	p2 =	por !p2, p0  }
0x20: {  	[sflag:s8] =	ssyncset.s32 @!p0 $0xFFFFF086;
	s6 =	sadd.s32 @!p0 s3, s7;
	s7 =	simm.s32 @!p0 $0x108  }
0x21: {  	s3 =	sadd.s32 s3, s9;
	s6 =	sadd.s32 @!p0 $0x88, s6;
	s7 =	simm.s32 @p2 $0x1082  }
0x22: {  	[simem:s7], [sflag:s8] =	dma.local @!p0 [hbm:s6], $0xF7A  }
0x23: {  	s9 =	sor.u32 $0xD0000000, s2;
	s6 =	simm.s32 $0x108;
	_ =	swait.ge @!p0 [sflag:s8], $0x0  }
0x24: {  	s3 =	sadd.s32 $0x88, s3;
	s6 =	simm.s32 @!p1 $0x1082;
	[sflag:s4] =	ssyncset.s32 $0xFFFFF086  }
0x25: {  	[simem:s6], [sflag:s4] =	dma.local [hbm:s3], $0xF7A  }
0x26: {  	[smem:$0x3F9E] =	sst s1;
	(tag) =	ssettag s2;
	_ =	strace s9  }
0x27: {  	s1 =	sld [smem:$0x3FAE]  }
0x28: {  	s2 =	sld [smem:$0x3FAF]  }
0x29: {  	s4 =	sld [smem:$0x3FB1]  }
0x2a: {  	p0 =	seq.s32 s5, $0x0;
	s5 =	sld [smem:$0x3FB2]  }
0x2b: {  	s6 =	sld [smem:$0x3FB3]  }
0x2c: {  	s7 =	sld [smem:$0x3FB4]  }
0x2d: {  	s3 =	simm.s32 $0x108;
	s8 =	sld [smem:$0x3FB5]  }
0x2e: {  	s3 =	simm.s32 @!p0 $0x1082;
	s9 =	sld [smem:$0x3FB6]  }
0x2f: {  	lr =	sadd.s32 s0, s3;
	s0 =	sld [smem:$0x3FAD]  }
0x30: {  	s3 =	sld [smem:$0x3FB0]  }
0x31: {  	[smem:$0x3FB9] =	sst s10  }
0x32: {  	s10 =	sld [smem:$0x3FB7];
	_ =	sdelay $0x3  }
0x33: {  	p0 =	seq.s32 s10, $0x1;
	s10 =	sld [smem:$0x3FB9];
	_ =	sdelay $0x3  }
0x34: {  	[smem:$0x3FB9] =	sst s10  }
0x35: {  	s10 =	sld [smem:$0x3FB8];
	_ =	sdelay $0x3  }
0x36: {  	p1 =	seq.s32 s10, $0x1;
	s10 =	sld [smem:$0x3FB9];
	_ =	sdelay $0x3  }
0x37: {  	[smem:$0x3FB9] =	sst s10  }
0x38: {  	s10 =	sld [smem:$0x3FBA]  }
0x39: {  	_ = 	snop;
	(pc) =	sbr.ind lr, $3  }
0x3a: {  	_ = 	snop  }
0x3b: {  	_ = 	snop  }
0x3c: {  	p2 =	seq.s32 s10, $0x1;
	s10 =	sld [smem:$0x3FB9]  }
0x3d: {  	_ =	shalt  }
0x3e: {  	_ =	shalt  }
0x3f: {  	_ =	shalt  }
0x40: {  	_ =	shalt  }
0x41: {  	_ =	shalt  }
0x42: {  	_ =	shalt  }
0x43: {  	_ =	shalt  }
0x44: {  	_ =	shalt  }
0x45: {  	_ =	shalt  }
0x46: {  	_ =	shalt  }
0x47: {  	_ =	shalt  }
0x48: {  	_ =	shalt  }
0x49: {  	_ =	shalt  }
0x4a: {  	_ =	shalt  }
0x4b: {  	_ =	shalt  }
0x4c: {  	_ =	shalt  }
0x4d: {  	_ =	shalt  }
0x4e: {  	_ =	shalt  }
0x4f: {  	_ =	shalt  }
0x50: {  	_ =	shalt  }
0x51: {  	_ =	shalt  }
0x52: {  	_ =	shalt  }
0x53: {  	_ =	shalt  }
0x54: {  	_ =	shalt  }
0x55: {  	_ =	shalt  }
0x56: {  	_ =	shalt  }
0x57: {  	_ =	shalt  }
0x58: {  	_ =	shalt  }
0x59: {  	_ =	shalt  }
0x5a: {  	_ =	shalt  }
0x5b: {  	_ =	shalt  }
0x5c: {  	_ =	shalt  }
0x5d: {  	_ =	shalt  }
0x5e: {  	_ =	shalt  }
0x5f: {  	_ =	shalt  }
0x60: {  	_ =	shalt  }
0x61: {  	_ =	shalt  }
0x62: {  	_ =	shalt  }
0x63: {  	_ =	shalt  }
0x64: {  	_ =	shalt  }
0x65: {  	_ =	shalt  }
0x66: {  	_ =	shalt  }
0x67: {  	_ =	shalt  }
0x68: {  	_ =	shalt  }
0x69: {  	_ =	shalt  }
0x6a: {  	_ =	shalt  }
0x6b: {  	_ =	shalt  }
0x6c: {  	_ =	shalt  }
0x6d: {  	_ =	shalt  }
0x6e: {  	_ =	shalt  }
0x6f: {  	_ =	shalt  }
0x70: {  	_ =	shalt  }
0x71: {  	_ =	shalt  }
0x72: {  	_ =	shalt  }
0x73: {  	_ =	shalt  }
0x74: {  	_ =	shalt  }
0x75: {  	_ =	shalt  }
0x76: {  	_ =	shalt  }
0x77: {  	_ =	shalt  }
0x78: {  	_ =	shalt  }
0x79: {  	_ =	shalt  }
0x7a: {  	_ =	shalt  }
0x7b: {  	_ =	shalt  }
0x7c: {  	_ =	shalt  }
0x7d: {  	_ =	shalt  }
0x7e: {  	_ =	shalt  }
0x7f: {  	_ =	shalt  }
0x80: {  	_ =	shalt  }
0x81: {  	_ =	shalt  }
0x82: {  	_ =	shalt  }
0x83: {  	_ =	shalt  }
0x84: {  	_ =	shalt  }
0x85: {  	_ =	shalt  }
0x86: {  	_ =	shalt  }
0x87: {  	_ =	shalt  }
.Lfunc_end0:
.L_simem_size_0:
called_computation_lowered:
.L_overlay_start_0:
0x88: {  	s2 =	sld [smem:$0x3FD9]  }
0x89: {  	s3 =	sld [smem:$0x3FFE];
	_ =	sdelay $0x1  }
0x8a: {  	s1 =	srdreg.scid  }
0x8b: {  	s0 =	sand.u32 $0x1, s1  }
0x8c: {  	s17 =	sshll.u32 s0, $0xA;
	s2 =	sadd.s32 s3, s2  }
0x8d: {  	s2 =	sadd.s32 s2, s17  }
0x8e: {  	[smem:$0x3FC5] =	sst s2  }
0x8f: {  	_ = 	snop  }
0x90: {  	s2 =	sld [smem:$0x3FC8]  }
0x91: {  	s18 =	sld [smem:$0x3FC7]  }
0x92: {  	s4 =	sld [smem:$0x3FD0];
	(tm) =	ssettm $0x1  }
0x93: {  	s5 =	sld [smem:$0x3FFB];
	_ =	sdelay $0x3  }
0x94: {  	_ =	strace s5  }
0x95: {  	s5 =	sld [smem:$0x3FFC];
	_ =	sdelay $0x3  }
0x96: {  	_ =	strace s5  }
0x97: {  	s5 =	sld [smem:$0x3FFD];
	_ =	sdelay $0x3  }
0x98: {  	_ =	strace s5  }
0x99: {  	_ =	strace $0x8FFFFFFF  }
0x9a: {  	s19 =	sld [smem:$0x3FDB];
	_ =	sdelay $0x1  }
0x9b: {  	s6 =	simm.s32 $_scs_section_size  }
0x9c: {  	s7 =	simm.s32 $_size__tile_overlayer_lowered;
	s8 =	simm.s32 $_tile_overlayer_lowered  }
0x9d: {  	s22 =	simm.s32 $0x1BFF;
	s21 =	sshll.u32 s8, $0x1;
	s5 =	sadd.s32 s6, s19  }
0x9e: {  	s9 =	simm.s32 $0x0;
	s20 =	sshll.u32 s7, $0x1;
	s7 =	sadd.s32 s21, s5  }
0x9f: {  	[timem:s9], [sflag:s22] =	dma.local [hbm:s7], s20  }
0xa0: {  	_ =	swait.ge [sflag:s22], s20  }
0xa1: {  	s6 =	ssub.s32 $0x0, s20;
	[sflag:s22] =	ssyncset.done $0x0  }
0xa2: {  	[sflag:s22] =	ssyncadd.s32 s6;
	_ =	sdelay $0x1  }
0xa3: {  	s23 =	simm.s32 $0x1B8B  }
0xa4: {  	_ =	swait.ge [sflag:s23], $0x1  }
0xa5: {  	[sflag:s23] =	ssyncset.done $0x0  }
0xa6: {  	s25 =	simm.s32 $0x1B8E;
	s24 =	sld [smem:$0x3FFE];
	[sflag:s23] =	ssyncadd.s32 $0xFFFFFFFF  }
0xa7: {  	s26 =	simm.s32 $execute0_lowered;
	[smem:$0x3FD2] =	sst s25  }
0xa8: {  	s7 =	sshll.u32 s26, $0x1;
	_ =	strace $0x80000046;
	[dreg:$0x1] =	wrdreg $0xFFFFFFFF  }
0xa9: {  	s28 =	simm.s32 $_size_execute0_lowered;
	s5 =	sadd.s32 s5, s7;
	[dreg:$0x0] =	wrdreg $0x0  }
0xaa: {  	s7 =	sshll.u32 s28, $0x1;
	[dreg:$0x2] =	wrdreg s5  }
0xab: {  	[dreg:$0x3] =	wrdreg s7  }
0xac: {  	[dreg:$0x4] =	wrdreg $0xC0  }
0xad: {  	_ =	task [dreg:s9], $0x5FFFF  }
0xae: {  	[dreg:$0x1] =	wrdreg $0xFFFFFFFF  }
0xaf: {  	[dreg:$0x0] =	wrdreg $0x60  }
0xb0: {  	[dreg:$0x2] =	wrdreg s4  }
0xb1: {  	[dreg:$0x3] =	wrdreg s2  }
0xb2: {  	[dreg:$0x4] =	wrdreg s18  }
0xb3: {  	[dreg:$0x5] =	wrdreg s24  }
0xb4: {  	[dreg:$0x6] =	wrdreg $0x0  }
0xb5: {  	[dreg:$0x7] =	wrdreg $0x9  }
0xb6: {  	_ =	task.clear_ibuf [dreg:s9], $0x8FFFF;
	_ =	strace $0x90000046  }
0xb7: {  	s29 =	simm.s32 $0x9;
	_ =	strace $0x80000048  }
0xb8: {  	_ =	swait.ge [sflag:s29], $0x1  }
0xb9: {  	[sflag:s29] =	ssyncadd.s32 $0xFFFFFFFF  }
0xba: {  	_ =	strace $0x90000048  }
0xbb: {  	_ =	sfence  }
0xbc: {  	s30 =	sld [smem:$0x0];
	_ =	sdelay $0x2  }
0xbd: {  	s31 =	sshll.u32 s1, $0xD;
	s1 =	sshrl.u32 s1, $0x2  }
0xbe: {  	s3 =	sand.u32 $0x4000, s31;
	s1 =	sadd.s32 s1, s30  }
0xbf: {  	s0 =	sor.u32 s3, s0;
	s1 =	sshll.u32 s1, $0x11  }
0xc0: {  	s0 =	sor.u32 s1, s0  }
0xc1: {  	s0 =	sadd.s32 $0x8F2B, s0  }
0xc2: {  	[sflag:s0] =	ssyncadd.remote.s32 $0x1  }
0xc3: {  	_ =	sfence.sel $0xFFFF  }
0xc4: {  	[dreg:$0x0] =	wrdreg $0xFFFFFFFF;
	(pc) =	sbr.abs _section_cstart, $3  }
0xc5: {  	[dreg:$0x1] =	wrdreg $0xFFFFFFFF  }
0xc6: {  	_ =	task.clear_ibuf [dreg:s9], $0x2FFFF;
	_ =	strace $0x9FFFFFFF  }
0xc7: {  	(tm) =	ssettm $0x7FFFFFFF  }
tec
execute0_lowered:
.L_overlay_start_1:
0x0: {  	(tag) =	ssettag $0x1  }
0x1: {  	s1 =	rddreg [dreg:$0x0];
	s26 =	stileid.u32  }
0x2: {  	s3 =	srdreg.scid;
	s11 =	sor.u32 $0x10, s26;
	s9 =	smul.u32 $0x3E80, s26  }
0x3: {  	s0 =	rddreg [dreg:$0x3];
	s5 =	sand.u32 $0x1, s3;
	s6 =	smul.u32 $0xFA00, s11  }
0x4: {  	s2 =	simm.s32 $0x0;
	s30 =	simm.s32 $0x186A0;
	s8 =	smul.u32 $0x186A00, s5  }
0x5: {  	s31 =	simm.s32 $0x2;
	s14 =	sor.u32 $0x30, s26;
	s3 =	smul.u32 $0x3E80, s11  }
0x6: {  	[smem:$0x7FF] =	sst s2;
	s15 =	sor.u32 $0x40, s26;
	s22 =	smul.u32 $0x3E80, s14  }
0x7: {  	s7 =	sadd.s32 $0x600, s0;
	s16 =	sor.u32 $0x50, s26;
	s23 =	smul.u32 $0x3E80, s15  }
0x8: {  	s17 =	sor.u32 $0x60, s26;
	s4 =	ssub.s32 $0x2, s5;
	s24 =	smul.u32 $0x3E80, s16  }
0x9: {  	p0 =	sgt.u32 s26, $0x3;
	s25 =	smul.u32 $0x3E80, s17;
	s12 =	sshrl.u32 s4, $0x1  }
0xa: {  	v0 =	vmov s5;
	s5 =	simm.s32 $0x1C610;
	s0 =	ssub.s32 s4, s12;
	s4 =	sor.u32 $0x20, s26  }
0xb: {  	s10 =	sadd.s32 s9, s8;
	s11 =	sadd.s32 s8, s3;
	s19 =	sadd.s32 s8, s22  }
0xc: {  	s12 =	sadd.s32 s8, s24;
	s6 =	sshrl.u32 s6, $0x2;
	s10 =	sshrl.u32 s10, $0x3  }
0xd: {  	s21 =	smul.u32 $0x3E80, s4;
	s13 =	sshrl.u32 s11, $0x3;
	s10 =	sadd.s32 s7, s10  }
0xe: {  	s4 =	smul.u32 $0xFA00, s4;
	[dreg:$0x6] =	wrdreg s10;
	s10 =	sadd.s32 s7, s13  }
0xf: {  	s18 =	sadd.s32 s8, s21;
	s13 =	sadd.s32 s8, s23;
	[dreg:$0x7] =	wrdreg s10  }
0x10: {  	s10 =	sshrl.u32 s18, $0x3;
	s11 =	sshrl.u32 s13, $0x3;
	s13 =	rddreg [dreg:$0x1]  }
0x11: {  	s10 =	sadd.s32 s7, s10;
	s18 =	sadd.s32 s7, s11;
	s11 =	rddreg [dreg:$0x4]  }
0x12: {  	s20 =	sshrl.u32 s19, $0x3;
	s19 =	sshrl.u32 s12, $0x3;
	[dreg:$0x8] =	wrdreg s10  }
0x13: {  	s8 =	sadd.s32 s8, s25;
	s4 =	sshrl.u32 s4, $0x2;
	[dreg:$0xa] =	wrdreg s18  }
0x14: {  	s8 =	sshrl.u32 s8, $0x3;
	s10 =	sadd.s32 s7, s20;
	s20 =	rddreg [dreg:$0x2]  }
0x15: {  	s18 =	smul.u32 $0x30D4, s26;
	s3 =	sadd.s32 s3, s11;
	s29 =	sadd.s32 s25, s11  }
0x16: {  	[dreg:$0x9] =	wrdreg s10;
	s10 =	sadd.s32 s7, s19;
	s7 =	sadd.s32 s7, s8  }
0x17: {  	s19 =	smul.u32 $0xFA00, s15;
	s15 =	sadd.s32 s6, s11;
	s8 =	sadd.s32 s21, s11  }
0x18: {  	s21 =	smax.u32 s0, $0x1;
	[dreg:$0xb] =	wrdreg s10;
	s10 =	smul.u32 $0xFA00, s26  }
0x19: {  	s12 =	sadd.s32 s18, s20;
	s13 =	sadd.s32 s18, s13;
	s18 =	smul.u32 $0xFA00, s14  }
0x1a: {  	s29 =	sshrl.u32 @!p0 s29, $0x3;
	s0 =	simm.s32 $0x1C570;
	s20 =	smul.u32 $0xFA00, s16  }
0x1b: {  	s6 =	simm.s32 $0x1;
	[dreg:$0xc] =	wrdreg s7;
	s14 =	smul.u32 $0xFA00, s17  }
0x1c: {  	s16 =	sadd.s32 s4, s11;
	s4 =	simm.s32 $0x1C5C0;
	_ =	strace $0x80000047  }
0x1d: {  	s7 =	sshrl.u32 s10, $0x2;
	s10 =	sshrl.u32 s18, $0x2;
	s18 =	sshrl.u32 s19, $0x2  }
0x1e: {  	s19 =	sshrl.u32 s20, $0x2;
	s20 =	sshrl.u32 s14, $0x2;
	s14 =	sadd.s32 s24, s11  }
0x1f: {  	s24 =	sshrl.u32 s8, $0x3;
	s7 =	sadd.s32 s7, s11;
	s17 =	sadd.s32 s10, s11  }
0x20: {  	s18 =	sadd.s32 s18, s11;
	s19 =	sadd.s32 s19, s11;
	s20 =	sadd.s32 s20, s11  }
0x21: {  	s10 =	sadd.s32 s23, s11;
	s23 =	sshrl.u32 s3, $0x3;
	s28 =	sshrl.u32 s14, $0x3  }
0x22: {  	s3 =	simm.s32 $0x50;
	[dreg:$0xd] =	wrdreg s7;
	s7 =	sadd.s32 s9, s11  }
0x23: {  	s9 =	sadd.s32 s22, s11;
	s26 =	sshrl.u32 s10, $0x3;
	s22 =	sshrl.u32 s7, $0x3  }
0x24: {  	v1 =	vimm.f32 $0.0e+00;
	s25 =	sshrl.u32 s9, $0x3;
	s9 =	simm.s32 $0x1C520;
	s7 =	simm.s32 $0x0  }
.LBB2_1:
0x25: {  	[tilespmem:$0x186A0] =	vst v1  }
0x26: {  	[tilespmem:$0x186B0] =	vst v1  }
0x27: {  	[tilespmem:$0x186C0] =	vst v1  }
0x28: {  	[tilespmem:$0x186D0] =	vst v1  }
0x29: {  	[tilespmem:$0x186E0] =	vst v1  }
0x2a: {  	[tilespmem:$0x186F0] =	vst v1  }
0x2b: {  	[tilespmem:$0x18700] =	vst v1  }
0x2c: {  	[tilespmem:$0x18710] =	vst v1  }
0x2d: {  	[tilespmem:$0x18720] =	vst v1  }
0x2e: {  	[tilespmem:$0x18730] =	vst v1  }
0x2f: {  	[tilespmem:$0x18740] =	vst v1  }
0x30: {  	[tilespmem:$0x18750] =	vst v1  }
0x31: {  	[tilespmem:$0x18760] =	vst v1  }
0x32: {  	[tilespmem:$0x18770] =	vst v1  }
0x33: {  	[tilespmem:$0x18780] =	vst v1  }
0x34: {  	[tilespmem:$0x18790] =	vst v1  }
0x35: {  	[tilespmem:$0x187A0] =	vst v1  }
0x36: {  	[tilespmem:$0x187B0] =	vst v1  }
0x37: {  	[tilespmem:$0x187C0] =	vst v1  }
0x38: {  	[tilespmem:$0x187D0] =	vst v1  }
0x39: {  	[tilespmem:$0x187E0] =	vst v1  }
0x3a: {  	[tilespmem:$0x187F0] =	vst v1  }
0x3b: {  	[tilespmem:$0x18800] =	vst v1  }
0x3c: {  	[tilespmem:$0x18810] =	vst v1  }
0x3d: {  	[tilespmem:$0x18820] =	vst v1  }
0x3e: {  	[tilespmem:$0x18830] =	vst v1  }
0x3f: {  	[tilespmem:$0x18840] =	vst v1  }
0x40: {  	[tilespmem:$0x18850] =	vst v1  }
0x41: {  	[tilespmem:$0x18860] =	vst v1  }
0x42: {  	[tilespmem:$0x18870] =	vst v1  }
0x43: {  	[tilespmem:$0x18880] =	vst v1  }
0x44: {  	[tilespmem:$0x18890] =	vst v1  }
0x45: {  	[tilespmem:$0x188A0] =	vst v1  }
0x46: {  	[tilespmem:$0x188B0] =	vst v1  }
0x47: {  	[tilespmem:$0x188C0] =	vst v1  }
0x48: {  	[tilespmem:$0x188D0] =	vst v1  }
0x49: {  	[tilespmem:$0x188E0] =	vst v1  }
0x4a: {  	[tilespmem:$0x188F0] =	vst v1  }
0x4b: {  	[tilespmem:$0x18900] =	vst v1  }
0x4c: {  	[tilespmem:$0x18910] =	vst v1  }
0x4d: {  	[tilespmem:$0x18920] =	vst v1  }
0x4e: {  	[tilespmem:$0x18930] =	vst v1  }
0x4f: {  	[tilespmem:$0x18940] =	vst v1  }
0x50: {  	[tilespmem:$0x18950] =	vst v1  }
0x51: {  	[tilespmem:$0x18960] =	vst v1  }
0x52: {  	[tilespmem:$0x18970] =	vst v1  }
0x53: {  	[tilespmem:$0x18980] =	vst v1  }
0x54: {  	[tilespmem:$0x18990] =	vst v1  }
0x55: {  	[tilespmem:$0x189A0] =	vst v1  }
0x56: {  	[tilespmem:$0x189B0] =	vst v1  }
0x57: {  	[tilespmem:$0x189C0] =	vst v1  }
0x58: {  	[tilespmem:$0x189D0] =	vst v1  }
0x59: {  	[tilespmem:$0x189E0] =	vst v1  }
0x5a: {  	[tilespmem:$0x189F0] =	vst v1  }
0x5b: {  	[tilespmem:$0x18A00] =	vst v1  }
0x5c: {  	[tilespmem:$0x18A10] =	vst v1  }
0x5d: {  	[tilespmem:$0x18A20] =	vst v1  }
0x5e: {  	[tilespmem:$0x18A30] =	vst v1  }
0x5f: {  	[tilespmem:$0x18A40] =	vst v1  }
0x60: {  	[tilespmem:$0x18A50] =	vst v1  }
0x61: {  	[tilespmem:$0x18A60] =	vst v1  }
0x62: {  	[tilespmem:$0x18A70] =	vst v1  }
0x63: {  	[tilespmem:$0x18A80] =	vst v1  }
0x64: {  	[tilespmem:$0x18A90] =	vst v1  }
0x65: {  	[tilespmem:$0x18AA0] =	vst v1  }
0x66: {  	[tilespmem:$0x18AB0] =	vst v1  }
0x67: {  	[tilespmem:$0x18AC0] =	vst v1  }
0x68: {  	[tilespmem:$0x18AD0] =	vst v1  }
0x69: {  	[tilespmem:$0x18AE0] =	vst v1  }
0x6a: {  	[tilespmem:$0x18AF0] =	vst v1  }
0x6b: {  	[tilespmem:$0x18B00] =	vst v1  }
0x6c: {  	[tilespmem:$0x18B10] =	vst v1  }
0x6d: {  	[tilespmem:$0x18B20] =	vst v1  }
0x6e: {  	[tilespmem:$0x18B30] =	vst v1  }
0x6f: {  	[tilespmem:$0x18B40] =	vst v1  }
0x70: {  	[tilespmem:$0x18B50] =	vst v1  }
0x71: {  	[tilespmem:$0x18B60] =	vst v1  }
0x72: {  	[tilespmem:$0x18B70] =	vst v1  }
0x73: {  	[tilespmem:$0x18B80] =	vst v1  }
0x74: {  	[tilespmem:$0x18B90] =	vst v1  }
0x75: {  	[tilespmem:$0x18BA0] =	vst v1  }
0x76: {  	[tilespmem:$0x18BB0] =	vst v1  }
0x77: {  	[tilespmem:$0x18BC0] =	vst v1  }
0x78: {  	[tilespmem:$0x18BD0] =	vst v1  }
0x79: {  	[tilespmem:$0x18BE0] =	vst v1  }
0x7a: {  	[tilespmem:$0x18BF0] =	vst v1  }
0x7b: {  	[tilespmem:$0x18C00] =	vst v1  }
0x7c: {  	[tilespmem:$0x18C10] =	vst v1  }
0x7d: {  	[tilespmem:$0x18C20] =	vst v1  }
0x7e: {  	[tilespmem:$0x18C30] =	vst v1  }
0x7f: {  	[tilespmem:$0x18C40] =	vst v1  }
0x80: {  	[tilespmem:$0x18C50] =	vst v1  }
0x81: {  	[tilespmem:$0x18C60] =	vst v1  }
0x82: {  	[tilespmem:$0x18C70] =	vst v1  }
0x83: {  	[tilespmem:$0x18C80] =	vst v1  }
0x84: {  	[tilespmem:$0x18C90] =	vst v1  }
0x85: {  	[tilespmem:$0x18CA0] =	vst v1  }
0x86: {  	[tilespmem:$0x18CB0] =	vst v1  }
0x87: {  	[tilespmem:$0x18CC0] =	vst v1  }
0x88: {  	[tilespmem:$0x18CD0] =	vst v1  }
0x89: {  	[tilespmem:$0x18CE0] =	vst v1  }
0x8a: {  	[tilespmem:$0x18CF0] =	vst v1  }
0x8b: {  	[tilespmem:$0x18D00] =	vst v1  }
0x8c: {  	[tilespmem:$0x18D10] =	vst v1  }
0x8d: {  	[tilespmem:$0x18D20] =	vst v1  }
0x8e: {  	[tilespmem:$0x18D30] =	vst v1  }
0x8f: {  	[tilespmem:$0x18D40] =	vst v1  }
0x90: {  	[tilespmem:$0x18D50] =	vst v1  }
0x91: {  	[tilespmem:$0x18D60] =	vst v1  }
0x92: {  	[tilespmem:$0x18D70] =	vst v1  }
0x93: {  	[tilespmem:$0x18D80] =	vst v1  }
0x94: {  	[tilespmem:$0x18D90] =	vst v1  }
0x95: {  	[tilespmem:$0x18DA0] =	vst v1  }
0x96: {  	[tilespmem:$0x18DB0] =	vst v1  }
0x97: {  	[tilespmem:$0x18DC0] =	vst v1  }
0x98: {  	[tilespmem:$0x18DD0] =	vst v1  }
0x99: {  	[tilespmem:$0x18DE0] =	vst v1  }
0x9a: {  	[tilespmem:$0x18DF0] =	vst v1  }
0x9b: {  	[tilespmem:$0x18E00] =	vst v1  }
0x9c: {  	[tilespmem:$0x18E10] =	vst v1  }
0x9d: {  	[tilespmem:$0x18E20] =	vst v1  }
0x9e: {  	[tilespmem:$0x18E30] =	vst v1  }
0x9f: {  	[tilespmem:$0x18E40] =	vst v1  }
0xa0: {  	[tilespmem:$0x18E50] =	vst v1  }
0xa1: {  	[tilespmem:$0x18E60] =	vst v1  }
0xa2: {  	[tilespmem:$0x18E70] =	vst v1  }
0xa3: {  	[tilespmem:$0x18E80] =	vst v1  }
0xa4: {  	[tilespmem:$0x18E90] =	vst v1  }
0xa5: {  	[tilespmem:$0x18EA0] =	vst v1  }
0xa6: {  	[tilespmem:$0x18EB0] =	vst v1  }
0xa7: {  	[tilespmem:$0x18EC0] =	vst v1  }
0xa8: {  	[tilespmem:$0x18ED0] =	vst v1  }
0xa9: {  	[tilespmem:$0x18EE0] =	vst v1  }
0xaa: {  	[tilespmem:$0x18EF0] =	vst v1  }
0xab: {  	[tilespmem:$0x18F00] =	vst v1  }
0xac: {  	[tilespmem:$0x18F10] =	vst v1  }
0xad: {  	[tilespmem:$0x18F20] =	vst v1  }
0xae: {  	[tilespmem:$0x18F30] =	vst v1  }
0xaf: {  	[tilespmem:$0x18F40] =	vst v1  }
0xb0: {  	[tilespmem:$0x18F50] =	vst v1  }
0xb1: {  	[tilespmem:$0x18F60] =	vst v1  }
0xb2: {  	[tilespmem:$0x18F70] =	vst v1  }
0xb3: {  	[tilespmem:$0x18F80] =	vst v1  }
0xb4: {  	[tilespmem:$0x18F90] =	vst v1  }
0xb5: {  	[tilespmem:$0x18FA0] =	vst v1  }
0xb6: {  	[tilespmem:$0x18FB0] =	vst v1  }
0xb7: {  	[tilespmem:$0x18FC0] =	vst v1  }
0xb8: {  	[tilespmem:$0x18FD0] =	vst v1  }
0xb9: {  	[tilespmem:$0x18FE0] =	vst v1  }
0xba: {  	[tilespmem:$0x18FF0] =	vst v1  }
0xbb: {  	[tilespmem:$0x19000] =	vst v1  }
0xbc: {  	[tilespmem:$0x19010] =	vst v1  }
0xbd: {  	[tilespmem:$0x19020] =	vst v1  }
0xbe: {  	[tilespmem:$0x19030] =	vst v1  }
0xbf: {  	[tilespmem:$0x19040] =	vst v1  }
0xc0: {  	[tilespmem:$0x19050] =	vst v1  }
0xc1: {  	[tilespmem:$0x19060] =	vst v1  }
0xc2: {  	[tilespmem:$0x19070] =	vst v1  }
0xc3: {  	[tilespmem:$0x19080] =	vst v1  }
0xc4: {  	[tilespmem:$0x19090] =	vst v1  }
0xc5: {  	[tilespmem:$0x190A0] =	vst v1  }
0xc6: {  	[tilespmem:$0x190B0] =	vst v1  }
0xc7: {  	[tilespmem:$0x190C0] =	vst v1  }
0xc8: {  	[tilespmem:$0x190D0] =	vst v1  }
0xc9: {  	[tilespmem:$0x190E0] =	vst v1  }
0xca: {  	[tilespmem:$0x190F0] =	vst v1  }
0xcb: {  	[tilespmem:$0x19100] =	vst v1  }
0xcc: {  	[tilespmem:$0x19110] =	vst v1  }
0xcd: {  	[tilespmem:$0x19120] =	vst v1  }
0xce: {  	[tilespmem:$0x19130] =	vst v1  }
0xcf: {  	[tilespmem:$0x19140] =	vst v1  }
0xd0: {  	[tilespmem:$0x19150] =	vst v1  }
0xd1: {  	[tilespmem:$0x19160] =	vst v1  }
0xd2: {  	[tilespmem:$0x19170] =	vst v1  }
0xd3: {  	[tilespmem:$0x19180] =	vst v1  }
0xd4: {  	[tilespmem:$0x19190] =	vst v1  }
0xd5: {  	[tilespmem:$0x191A0] =	vst v1  }
0xd6: {  	[tilespmem:$0x191B0] =	vst v1  }
0xd7: {  	[tilespmem:$0x191C0] =	vst v1  }
0xd8: {  	[tilespmem:$0x191D0] =	vst v1  }
0xd9: {  	[tilespmem:$0x191E0] =	vst v1  }
0xda: {  	[tilespmem:$0x191F0] =	vst v1  }
0xdb: {  	[tilespmem:$0x19200] =	vst v1  }
0xdc: {  	[tilespmem:$0x19210] =	vst v1  }
0xdd: {  	[tilespmem:$0x19220] =	vst v1  }
0xde: {  	[tilespmem:$0x19230] =	vst v1  }
0xdf: {  	[tilespmem:$0x19240] =	vst v1  }
0xe0: {  	[tilespmem:$0x19250] =	vst v1  }
0xe1: {  	[tilespmem:$0x19260] =	vst v1  }
0xe2: {  	[tilespmem:$0x19270] =	vst v1  }
0xe3: {  	[tilespmem:$0x19280] =	vst v1  }
0xe4: {  	[tilespmem:$0x19290] =	vst v1  }
0xe5: {  	[tilespmem:$0x192A0] =	vst v1  }
0xe6: {  	[tilespmem:$0x192B0] =	vst v1  }
0xe7: {  	[tilespmem:$0x192C0] =	vst v1  }
0xe8: {  	[tilespmem:$0x192D0] =	vst v1  }
0xe9: {  	[tilespmem:$0x192E0] =	vst v1  }
0xea: {  	[tilespmem:$0x192F0] =	vst v1  }
0xeb: {  	[tilespmem:$0x19300] =	vst v1  }
0xec: {  	[tilespmem:$0x19310] =	vst v1  }
0xed: {  	[tilespmem:$0x19320] =	vst v1  }
0xee: {  	[tilespmem:$0x19330] =	vst v1  }
0xef: {  	[tilespmem:$0x19340] =	vst v1  }
0xf0: {  	[tilespmem:$0x19350] =	vst v1  }
0xf1: {  	[tilespmem:$0x19360] =	vst v1  }
0xf2: {  	[tilespmem:$0x19370] =	vst v1  }
0xf3: {  	[tilespmem:$0x19380] =	vst v1  }
0xf4: {  	[tilespmem:$0x19390] =	vst v1  }
0xf5: {  	[tilespmem:$0x193A0] =	vst v1  }
0xf6: {  	[tilespmem:$0x193B0] =	vst v1  }
0xf7: {  	[tilespmem:$0x193C0] =	vst v1  }
0xf8: {  	[tilespmem:$0x193D0] =	vst v1  }
0xf9: {  	[tilespmem:$0x193E0] =	vst v1  }
0xfa: {  	[tilespmem:$0x193F0] =	vst v1  }
0xfb: {  	[tilespmem:$0x19400] =	vst v1  }
0xfc: {  	[tilespmem:$0x19410] =	vst v1  }
0xfd: {  	[tilespmem:$0x19420] =	vst v1  }
0xfe: {  	[tilespmem:$0x19430] =	vst v1  }
0xff: {  	[tilespmem:$0x19440] =	vst v1  }
0x100: {  	[tilespmem:$0x19450] =	vst v1  }
0x101: {  	[tilespmem:$0x19460] =	vst v1  }
0x102: {  	[tilespmem:$0x19470] =	vst v1  }
0x103: {  	[tilespmem:$0x19480] =	vst v1  }
0x104: {  	[tilespmem:$0x19490] =	vst v1  }
0x105: {  	[tilespmem:$0x194A0] =	vst v1  }
0x106: {  	[tilespmem:$0x194B0] =	vst v1  }
0x107: {  	[tilespmem:$0x194C0] =	vst v1  }
0x108: {  	[tilespmem:$0x194D0] =	vst v1  }
0x109: {  	[tilespmem:$0x194E0] =	vst v1  }
0x10a: {  	[tilespmem:$0x194F0] =	vst v1  }
0x10b: {  	[tilespmem:$0x19500] =	vst v1  }
0x10c: {  	[tilespmem:$0x19510] =	vst v1  }
0x10d: {  	[tilespmem:$0x19520] =	vst v1  }
0x10e: {  	[tilespmem:$0x19530] =	vst v1  }
0x10f: {  	[tilespmem:$0x19540] =	vst v1  }
0x110: {  	[tilespmem:$0x19550] =	vst v1  }
0x111: {  	[tilespmem:$0x19560] =	vst v1  }
0x112: {  	[tilespmem:$0x19570] =	vst v1  }
0x113: {  	[tilespmem:$0x19580] =	vst v1  }
0x114: {  	[tilespmem:$0x19590] =	vst v1  }
0x115: {  	[tilespmem:$0x195A0] =	vst v1  }
0x116: {  	[tilespmem:$0x195B0] =	vst v1  }
0x117: {  	[tilespmem:$0x195C0] =	vst v1  }
0x118: {  	[tilespmem:$0x195D0] =	vst v1  }
0x119: {  	[tilespmem:$0x195E0] =	vst v1  }
0x11a: {  	[tilespmem:$0x195F0] =	vst v1  }
0x11b: {  	[tilespmem:$0x19600] =	vst v1  }
0x11c: {  	[tilespmem:$0x19610] =	vst v1  }
0x11d: {  	[tilespmem:$0x19620] =	vst v1  }
0x11e: {  	[tilespmem:$0x19630] =	vst v1  }
0x11f: {  	[tilespmem:$0x19640] =	vst v1  }
0x120: {  	[tilespmem:$0x19650] =	vst v1  }
0x121: {  	[tilespmem:$0x19660] =	vst v1  }
0x122: {  	[tilespmem:$0x19670] =	vst v1  }
0x123: {  	[tilespmem:$0x19680] =	vst v1  }
0x124: {  	[tilespmem:$0x19690] =	vst v1  }
0x125: {  	[tilespmem:$0x196A0] =	vst v1  }
0x126: {  	[tilespmem:$0x196B0] =	vst v1  }
0x127: {  	[tilespmem:$0x196C0] =	vst v1  }
0x128: {  	[tilespmem:$0x196D0] =	vst v1  }
0x129: {  	[tilespmem:$0x196E0] =	vst v1  }
0x12a: {  	[tilespmem:$0x196F0] =	vst v1  }
0x12b: {  	[tilespmem:$0x19700] =	vst v1  }
0x12c: {  	[tilespmem:$0x19710] =	vst v1  }
0x12d: {  	[tilespmem:$0x19720] =	vst v1  }
0x12e: {  	[tilespmem:$0x19730] =	vst v1  }
0x12f: {  	[tilespmem:$0x19740] =	vst v1  }
0x130: {  	[tilespmem:$0x19750] =	vst v1  }
0x131: {  	[tilespmem:$0x19760] =	vst v1  }
0x132: {  	[tilespmem:$0x19770] =	vst v1  }
0x133: {  	[tilespmem:$0x19780] =	vst v1  }
0x134: {  	[tilespmem:$0x19790] =	vst v1  }
0x135: {  	[tilespmem:$0x197A0] =	vst v1  }
0x136: {  	[tilespmem:$0x197B0] =	vst v1  }
0x137: {  	[tilespmem:$0x197C0] =	vst v1  }
0x138: {  	[tilespmem:$0x197D0] =	vst v1  }
0x139: {  	[tilespmem:$0x197E0] =	vst v1  }
0x13a: {  	[tilespmem:$0x197F0] =	vst v1  }
0x13b: {  	[tilespmem:$0x19800] =	vst v1  }
0x13c: {  	[tilespmem:$0x19810] =	vst v1  }
0x13d: {  	[tilespmem:$0x19820] =	vst v1  }
0x13e: {  	[tilespmem:$0x19830] =	vst v1  }
0x13f: {  	[tilespmem:$0x19840] =	vst v1  }
0x140: {  	[tilespmem:$0x19850] =	vst v1  }
0x141: {  	[tilespmem:$0x19860] =	vst v1  }
0x142: {  	[tilespmem:$0x19870] =	vst v1  }
0x143: {  	[tilespmem:$0x19880] =	vst v1  }
0x144: {  	[tilespmem:$0x19890] =	vst v1  }
0x145: {  	[tilespmem:$0x198A0] =	vst v1  }
0x146: {  	[tilespmem:$0x198B0] =	vst v1  }
0x147: {  	[tilespmem:$0x198C0] =	vst v1  }
0x148: {  	[tilespmem:$0x198D0] =	vst v1  }
0x149: {  	[tilespmem:$0x198E0] =	vst v1  }
0x14a: {  	[tilespmem:$0x198F0] =	vst v1  }
0x14b: {  	[tilespmem:$0x19900] =	vst v1  }
0x14c: {  	[tilespmem:$0x1A830] =	vst v1  }
0x14d: {  	[tilespmem:$0x1A840] =	vst v1  }
0x14e: {  	[tilespmem:$0x19910] =	vst v1  }
0x14f: {  	[tilespmem:$0x19920] =	vst v1  }
0x150: {  	[tilespmem:$0x19930] =	vst v1  }
0x151: {  	[tilespmem:$0x19940] =	vst v1  }
0x152: {  	[tilespmem:$0x19950] =	vst v1  }
0x153: {  	[tilespmem:$0x19960] =	vst v1  }
0x154: {  	[tilespmem:$0x19970] =	vst v1  }
0x155: {  	[tilespmem:$0x19980] =	vst v1  }
0x156: {  	[tilespmem:$0x19990] =	vst v1  }
0x157: {  	[tilespmem:$0x199A0] =	vst v1  }
0x158: {  	[tilespmem:$0x199B0] =	vst v1  }
0x159: {  	[tilespmem:$0x199C0] =	vst v1  }
0x15a: {  	[tilespmem:$0x199D0] =	vst v1  }
0x15b: {  	[tilespmem:$0x199E0] =	vst v1  }
0x15c: {  	[tilespmem:$0x199F0] =	vst v1  }
0x15d: {  	[tilespmem:$0x19A00] =	vst v1  }
0x15e: {  	[tilespmem:$0x19A10] =	vst v1  }
0x15f: {  	[tilespmem:$0x19A20] =	vst v1  }
0x160: {  	[tilespmem:$0x19A30] =	vst v1  }
0x161: {  	[tilespmem:$0x19A40] =	vst v1  }
0x162: {  	[tilespmem:$0x19A50] =	vst v1  }
0x163: {  	[tilespmem:$0x19A60] =	vst v1  }
0x164: {  	[tilespmem:$0x19A70] =	vst v1  }
0x165: {  	[tilespmem:$0x19A80] =	vst v1  }
0x166: {  	[tilespmem:$0x19A90] =	vst v1  }
0x167: {  	[tilespmem:$0x19AA0] =	vst v1  }
0x168: {  	[tilespmem:$0x19AB0] =	vst v1  }
0x169: {  	[tilespmem:$0x19AC0] =	vst v1  }
0x16a: {  	[tilespmem:$0x19AD0] =	vst v1  }
0x16b: {  	[tilespmem:$0x19AE0] =	vst v1  }
0x16c: {  	[tilespmem:$0x19AF0] =	vst v1  }
0x16d: {  	[tilespmem:$0x19B00] =	vst v1  }
0x16e: {  	[tilespmem:$0x19B10] =	vst v1  }
0x16f: {  	[tilespmem:$0x19B20] =	vst v1  }
0x170: {  	[tilespmem:$0x19B30] =	vst v1  }
0x171: {  	[tilespmem:$0x19B40] =	vst v1  }
0x172: {  	[tilespmem:$0x19B50] =	vst v1  }
0x173: {  	[tilespmem:$0x19B60] =	vst v1  }
0x174: {  	[tilespmem:$0x19B70] =	vst v1  }
0x175: {  	[tilespmem:$0x19B80] =	vst v1  }
0x176: {  	[tilespmem:$0x19B90] =	vst v1  }
0x177: {  	[tilespmem:$0x19BA0] =	vst v1  }
0x178: {  	[tilespmem:$0x19BB0] =	vst v1  }
0x179: {  	[tilespmem:$0x19BC0] =	vst v1  }
0x17a: {  	[tilespmem:$0x19BD0] =	vst v1  }
0x17b: {  	[tilespmem:$0x19BE0] =	vst v1  }
0x17c: {  	[tilespmem:$0x19BF0] =	vst v1  }
0x17d: {  	[tilespmem:$0x19C00] =	vst v1  }
0x17e: {  	[tilespmem:$0x19C10] =	vst v1  }
0x17f: {  	[tilespmem:$0x19C20] =	vst v1  }
0x180: {  	[tilespmem:$0x19C30] =	vst v1  }
0x181: {  	[tilespmem:$0x19C40] =	vst v1  }
0x182: {  	[tilespmem:$0x19C50] =	vst v1  }
0x183: {  	[tilespmem:$0x19C60] =	vst v1  }
0x184: {  	[tilespmem:$0x19C70] =	vst v1  }
0x185: {  	[tilespmem:$0x19C80] =	vst v1  }
0x186: {  	[tilespmem:$0x19C90] =	vst v1  }
0x187: {  	[tilespmem:$0x19CA0] =	vst v1  }
0x188: {  	[tilespmem:$0x19CB0] =	vst v1  }
0x189: {  	[tilespmem:$0x19CC0] =	vst v1  }
0x18a: {  	[tilespmem:$0x19CD0] =	vst v1  }
0x18b: {  	[tilespmem:$0x19CE0] =	vst v1  }
0x18c: {  	[tilespmem:$0x19CF0] =	vst v1  }
0x18d: {  	[tilespmem:$0x19D00] =	vst v1  }
0x18e: {  	[tilespmem:$0x19D10] =	vst v1  }
0x18f: {  	[tilespmem:$0x19D20] =	vst v1  }
0x190: {  	[tilespmem:$0x19D30] =	vst v1  }
0x191: {  	[tilespmem:$0x19D40] =	vst v1  }
0x192: {  	[tilespmem:$0x19D50] =	vst v1  }
0x193: {  	[tilespmem:$0x19D60] =	vst v1  }
0x194: {  	[tilespmem:$0x19D70] =	vst v1  }
0x195: {  	[tilespmem:$0x19D80] =	vst v1  }
0x196: {  	[tilespmem:$0x19D90] =	vst v1  }
0x197: {  	[tilespmem:$0x19DA0] =	vst v1  }
0x198: {  	[tilespmem:$0x19DB0] =	vst v1  }
0x199: {  	[tilespmem:$0x19DC0] =	vst v1  }
0x19a: {  	[tilespmem:$0x19DD0] =	vst v1  }
0x19b: {  	[tilespmem:$0x19DE0] =	vst v1  }
0x19c: {  	[tilespmem:$0x19DF0] =	vst v1  }
0x19d: {  	[tilespmem:$0x19E00] =	vst v1  }
0x19e: {  	[tilespmem:$0x19E10] =	vst v1  }
0x19f: {  	[tilespmem:$0x19E20] =	vst v1  }
0x1a0: {  	[tilespmem:$0x19E30] =	vst v1  }
0x1a1: {  	[tilespmem:$0x19E40] =	vst v1  }
0x1a2: {  	[tilespmem:$0x19E50] =	vst v1  }
0x1a3: {  	[tilespmem:$0x19E60] =	vst v1  }
0x1a4: {  	[tilespmem:$0x19E70] =	vst v1  }
0x1a5: {  	[tilespmem:$0x19E80] =	vst v1  }
0x1a6: {  	[tilespmem:$0x19E90] =	vst v1  }
0x1a7: {  	[tilespmem:$0x19EA0] =	vst v1  }
0x1a8: {  	[tilespmem:$0x19EB0] =	vst v1  }
0x1a9: {  	[tilespmem:$0x19EC0] =	vst v1  }
0x1aa: {  	[tilespmem:$0x19ED0] =	vst v1  }
0x1ab: {  	[tilespmem:$0x19EE0] =	vst v1  }
0x1ac: {  	[tilespmem:$0x19EF0] =	vst v1  }
0x1ad: {  	[tilespmem:$0x19F00] =	vst v1  }
0x1ae: {  	[tilespmem:$0x19F10] =	vst v1  }
0x1af: {  	[tilespmem:$0x19F20] =	vst v1  }
0x1b0: {  	[tilespmem:$0x19F30] =	vst v1  }
0x1b1: {  	[tilespmem:$0x19F40] =	vst v1  }
0x1b2: {  	[tilespmem:$0x19F50] =	vst v1  }
0x1b3: {  	[tilespmem:$0x19F60] =	vst v1  }
0x1b4: {  	[tilespmem:$0x19F70] =	vst v1  }
0x1b5: {  	[tilespmem:$0x19F80] =	vst v1  }
0x1b6: {  	[tilespmem:$0x19F90] =	vst v1  }
0x1b7: {  	[tilespmem:$0x19FA0] =	vst v1  }
0x1b8: {  	[tilespmem:$0x19FB0] =	vst v1  }
0x1b9: {  	[tilespmem:$0x19FC0] =	vst v1  }
0x1ba: {  	[tilespmem:$0x19FD0] =	vst v1  }
0x1bb: {  	[tilespmem:$0x19FE0] =	vst v1  }
0x1bc: {  	[tilespmem:$0x19FF0] =	vst v1  }
0x1bd: {  	[tilespmem:$0x1A000] =	vst v1  }
0x1be: {  	[tilespmem:$0x1A010] =	vst v1  }
0x1bf: {  	[tilespmem:$0x1A020] =	vst v1  }
0x1c0: {  	[tilespmem:$0x1A030] =	vst v1  }
0x1c1: {  	[tilespmem:$0x1A040] =	vst v1  }
0x1c2: {  	[tilespmem:$0x1A050] =	vst v1  }
0x1c3: {  	[tilespmem:$0x1A060] =	vst v1  }
0x1c4: {  	[tilespmem:$0x1A070] =	vst v1  }
0x1c5: {  	[tilespmem:$0x1A080] =	vst v1  }
0x1c6: {  	[tilespmem:$0x1A090] =	vst v1  }
0x1c7: {  	[tilespmem:$0x1A0A0] =	vst v1  }
0x1c8: {  	[tilespmem:$0x1A0B0] =	vst v1  }
0x1c9: {  	[tilespmem:$0x1A0C0] =	vst v1  }
0x1ca: {  	[tilespmem:$0x1A0D0] =	vst v1  }
0x1cb: {  	[tilespmem:$0x1A0E0] =	vst v1  }
0x1cc: {  	[tilespmem:$0x1A0F0] =	vst v1  }
0x1cd: {  	[tilespmem:$0x1A100] =	vst v1  }
0x1ce: {  	[tilespmem:$0x1A110] =	vst v1  }
0x1cf: {  	[tilespmem:$0x1A120] =	vst v1  }
0x1d0: {  	[tilespmem:$0x1A130] =	vst v1  }
0x1d1: {  	[tilespmem:$0x1A140] =	vst v1  }
0x1d2: {  	[tilespmem:$0x1A150] =	vst v1  }
0x1d3: {  	[tilespmem:$0x1A160] =	vst v1  }
0x1d4: {  	[tilespmem:$0x1A170] =	vst v1  }
0x1d5: {  	[tilespmem:$0x1A180] =	vst v1  }
0x1d6: {  	[tilespmem:$0x1A190] =	vst v1  }
0x1d7: {  	[tilespmem:$0x1A1A0] =	vst v1  }
0x1d8: {  	[tilespmem:$0x1A1B0] =	vst v1  }
0x1d9: {  	[tilespmem:$0x1A1C0] =	vst v1  }
0x1da: {  	[tilespmem:$0x1A1D0] =	vst v1  }
0x1db: {  	[tilespmem:$0x1A1E0] =	vst v1  }
0x1dc: {  	[tilespmem:$0x1A1F0] =	vst v1  }
0x1dd: {  	[tilespmem:$0x1A200] =	vst v1  }
0x1de: {  	[tilespmem:$0x1A210] =	vst v1  }
0x1df: {  	[tilespmem:$0x1A220] =	vst v1  }
0x1e0: {  	[tilespmem:$0x1A230] =	vst v1  }
0x1e1: {  	[tilespmem:$0x1A240] =	vst v1  }
0x1e2: {  	[tilespmem:$0x1A250] =	vst v1  }
0x1e3: {  	[tilespmem:$0x1A260] =	vst v1  }
0x1e4: {  	[tilespmem:$0x1A270] =	vst v1  }
0x1e5: {  	[tilespmem:$0x1A280] =	vst v1  }
0x1e6: {  	[tilespmem:$0x1A290] =	vst v1  }
0x1e7: {  	[tilespmem:$0x1A2A0] =	vst v1  }
0x1e8: {  	[tilespmem:$0x1A2B0] =	vst v1  }
0x1e9: {  	[tilespmem:$0x1A2C0] =	vst v1  }
0x1ea: {  	[tilespmem:$0x1A2D0] =	vst v1  }
0x1eb: {  	[tilespmem:$0x1A2E0] =	vst v1  }
0x1ec: {  	[tilespmem:$0x1A2F0] =	vst v1  }
0x1ed: {  	[tilespmem:$0x1A300] =	vst v1  }
0x1ee: {  	[tilespmem:$0x1A310] =	vst v1  }
0x1ef: {  	[tilespmem:$0x1A320] =	vst v1  }
0x1f0: {  	[tilespmem:$0x1A330] =	vst v1  }
0x1f1: {  	[tilespmem:$0x1A340] =	vst v1  }
0x1f2: {  	[tilespmem:$0x1A350] =	vst v1  }
0x1f3: {  	[tilespmem:$0x1A360] =	vst v1  }
0x1f4: {  	[tilespmem:$0x1A370] =	vst v1  }
0x1f5: {  	[tilespmem:$0x1A380] =	vst v1  }
0x1f6: {  	[tilespmem:$0x1A390] =	vst v1  }
0x1f7: {  	[tilespmem:$0x1A3A0] =	vst v1  }
0x1f8: {  	[tilespmem:$0x1A3B0] =	vst v1  }
0x1f9: {  	[tilespmem:$0x1A3C0] =	vst v1  }
0x1fa: {  	[tilespmem:$0x1A3D0] =	vst v1  }
0x1fb: {  	[tilespmem:$0x1A3E0] =	vst v1  }
0x1fc: {  	[tilespmem:$0x1A3F0] =	vst v1  }
0x1fd: {  	[tilespmem:$0x1A400] =	vst v1  }
0x1fe: {  	[tilespmem:$0x1A410] =	vst v1  }
0x1ff: {  	[tilespmem:$0x1A420] =	vst v1  }
0x200: {  	[tilespmem:$0x1A430] =	vst v1  }
0x201: {  	[tilespmem:$0x1A440] =	vst v1  }
0x202: {  	[tilespmem:$0x1A450] =	vst v1  }
0x203: {  	[tilespmem:$0x1A460] =	vst v1  }
0x204: {  	[tilespmem:$0x1A470] =	vst v1  }
0x205: {  	[tilespmem:$0x1A480] =	vst v1  }
0x206: {  	[tilespmem:$0x1A490] =	vst v1  }
0x207: {  	[tilespmem:$0x1A4A0] =	vst v1  }
0x208: {  	[tilespmem:$0x1A4B0] =	vst v1  }
0x209: {  	[tilespmem:$0x1A4C0] =	vst v1  }
0x20a: {  	[tilespmem:$0x1A4D0] =	vst v1  }
0x20b: {  	[tilespmem:$0x1A4E0] =	vst v1  }
0x20c: {  	[tilespmem:$0x1A4F0] =	vst v1  }
0x20d: {  	[tilespmem:$0x1A500] =	vst v1  }
0x20e: {  	[tilespmem:$0x1A510] =	vst v1  }
0x20f: {  	[tilespmem:$0x1A520] =	vst v1  }
0x210: {  	[tilespmem:$0x1A530] =	vst v1  }
0x211: {  	[tilespmem:$0x1A540] =	vst v1  }
0x212: {  	[tilespmem:$0x1A550] =	vst v1  }
0x213: {  	[tilespmem:$0x1A560] =	vst v1  }
0x214: {  	[tilespmem:$0x1A570] =	vst v1  }
0x215: {  	[tilespmem:$0x1A580] =	vst v1  }
0x216: {  	[tilespmem:$0x1A590] =	vst v1  }
0x217: {  	[tilespmem:$0x1A5A0] =	vst v1  }
0x218: {  	[tilespmem:$0x1A5B0] =	vst v1  }
0x219: {  	[tilespmem:$0x1A5C0] =	vst v1  }
0x21a: {  	[tilespmem:$0x1A5D0] =	vst v1  }
0x21b: {  	[tilespmem:$0x1A5E0] =	vst v1  }
0x21c: {  	[tilespmem:$0x1A5F0] =	vst v1  }
0x21d: {  	[tilespmem:$0x1A600] =	vst v1  }
0x21e: {  	[tilespmem:$0x1A610] =	vst v1  }
0x21f: {  	[tilespmem:$0x1A620] =	vst v1  }
0x220: {  	[tilespmem:$0x1A630] =	vst v1  }
0x221: {  	[tilespmem:$0x1A640] =	vst v1  }
0x222: {  	[tilespmem:$0x1A650] =	vst v1  }
0x223: {  	[tilespmem:$0x1A660] =	vst v1  }
0x224: {  	[tilespmem:$0x1A670] =	vst v1  }
0x225: {  	[tilespmem:$0x1A680] =	vst v1  }
0x226: {  	[tilespmem:$0x1A690] =	vst v1  }
0x227: {  	[tilespmem:$0x1A6A0] =	vst v1  }
0x228: {  	[tilespmem:$0x1A6B0] =	vst v1  }
0x229: {  	[tilespmem:$0x1A6C0] =	vst v1  }
0x22a: {  	[tilespmem:$0x1A6D0] =	vst v1  }
0x22b: {  	[tilespmem:$0x1A6E0] =	vst v1  }
0x22c: {  	[tilespmem:$0x1A6F0] =	vst v1  }
0x22d: {  	[tilespmem:$0x1A700] =	vst v1  }
0x22e: {  	[tilespmem:$0x1A710] =	vst v1  }
0x22f: {  	[tilespmem:$0x1A720] =	vst v1  }
0x230: {  	[tilespmem:$0x1A730] =	vst v1  }
0x231: {  	[tilespmem:$0x1A740] =	vst v1  }
0x232: {  	[tilespmem:$0x1A750] =	vst v1  }
0x233: {  	[tilespmem:$0x1A760] =	vst v1  }
0x234: {  	[tilespmem:$0x1A770] =	vst v1  }
0x235: {  	[tilespmem:$0x1A780] =	vst v1  }
0x236: {  	[tilespmem:$0x1A790] =	vst v1  }
0x237: {  	[tilespmem:$0x1A7A0] =	vst v1  }
0x238: {  	[tilespmem:$0x1A7B0] =	vst v1  }
0x239: {  	[tilespmem:$0x1A7C0] =	vst v1  }
0x23a: {  	[tilespmem:$0x1A7D0] =	vst v1  }
0x23b: {  	[tilespmem:$0x1A7E0] =	vst v1  }
0x23c: {  	[tilespmem:$0x1A7F0] =	vst v1  }
0x23d: {  	[tilespmem:$0x1A800] =	vst v1  }
0x23e: {  	[tilespmem:$0x1A810] =	vst v1  }
0x23f: {  	[tilespmem:$0x1A820] =	vst v1  }
0x240: {  	[tilespmem:$0x1A850] =	vst v1  }
0x241: {  	[tilespmem:$0x1A860] =	vst v1  }
0x242: {  	[tilespmem:$0x1A870] =	vst v1  }
0x243: {  	[tilespmem:$0x1A880] =	vst v1  }
0x244: {  	[tilespmem:$0x1A890] =	vst v1  }
0x245: {  	[tilespmem:$0x1A8A0] =	vst v1  }
0x246: {  	[tilespmem:$0x1A8B0] =	vst v1  }
0x247: {  	[tilespmem:$0x1A8C0] =	vst v1  }
0x248: {  	[tilespmem:$0x1A8D0] =	vst v1  }
0x249: {  	[tilespmem:$0x1A8E0] =	vst v1  }
0x24a: {  	[tilespmem:$0x1A8F0] =	vst v1  }
0x24b: {  	[tilespmem:$0x1A900] =	vst v1  }
0x24c: {  	[tilespmem:$0x1A910] =	vst v1  }
0x24d: {  	[tilespmem:$0x1A920] =	vst v1  }
0x24e: {  	[tilespmem:$0x1A930] =	vst v1  }
0x24f: {  	[tilespmem:$0x1A940] =	vst v1  }
0x250: {  	[tilespmem:$0x1A950] =	vst v1  }
0x251: {  	[tilespmem:$0x1A960] =	vst v1  }
0x252: {  	[tilespmem:$0x1A970] =	vst v1  }
0x253: {  	[tilespmem:$0x1A980] =	vst v1  }
0x254: {  	[tilespmem:$0x1A990] =	vst v1  }
0x255: {  	[tilespmem:$0x1A9A0] =	vst v1  }
0x256: {  	[tilespmem:$0x1A9B0] =	vst v1  }
0x257: {  	[tilespmem:$0x1A9C0] =	vst v1  }
0x258: {  	[tilespmem:$0x1A9D0] =	vst v1  }
0x259: {  	[tilespmem:$0x1A9E0] =	vst v1  }
0x25a: {  	[tilespmem:$0x1A9F0] =	vst v1  }
0x25b: {  	[tilespmem:$0x1AA00] =	vst v1  }
0x25c: {  	[tilespmem:$0x1AA10] =	vst v1  }
0x25d: {  	[tilespmem:$0x1AA20] =	vst v1  }
0x25e: {  	[tilespmem:$0x1AA30] =	vst v1  }
0x25f: {  	[tilespmem:$0x1AA40] =	vst v1  }
0x260: {  	[tilespmem:$0x1AA50] =	vst v1  }
0x261: {  	[tilespmem:$0x1AA60] =	vst v1  }
0x262: {  	[tilespmem:$0x1AA70] =	vst v1  }
0x263: {  	[tilespmem:$0x1AA80] =	vst v1  }
0x264: {  	[tilespmem:$0x1AA90] =	vst v1  }
0x265: {  	[tilespmem:$0x1AAA0] =	vst v1  }
0x266: {  	[tilespmem:$0x1AAB0] =	vst v1  }
0x267: {  	[tilespmem:$0x1AAC0] =	vst v1  }
0x268: {  	[tilespmem:$0x1AAD0] =	vst v1  }
0x269: {  	[tilespmem:$0x1AAE0] =	vst v1  }
0x26a: {  	[tilespmem:$0x1AAF0] =	vst v1  }
0x26b: {  	[tilespmem:$0x1AB00] =	vst v1  }
0x26c: {  	[tilespmem:$0x1AB10] =	vst v1  }
0x26d: {  	[tilespmem:$0x1AB20] =	vst v1  }
0x26e: {  	[tilespmem:$0x1AB30] =	vst v1  }
0x26f: {  	[tilespmem:$0x1AB40] =	vst v1  }
0x270: {  	[tilespmem:$0x1AB50] =	vst v1  }
0x271: {  	[tilespmem:$0x1AB60] =	vst v1  }
0x272: {  	[tilespmem:$0x1AB70] =	vst v1  }
0x273: {  	[tilespmem:$0x1AB80] =	vst v1  }
0x274: {  	[tilespmem:$0x1AB90] =	vst v1  }
0x275: {  	[tilespmem:$0x1ABA0] =	vst v1  }
0x276: {  	[tilespmem:$0x1ABB0] =	vst v1  }
0x277: {  	[tilespmem:$0x1ABC0] =	vst v1  }
0x278: {  	[tilespmem:$0x1ABD0] =	vst v1  }
0x279: {  	[tilespmem:$0x1ABE0] =	vst v1  }
0x27a: {  	[tilespmem:$0x1ABF0] =	vst v1  }
0x27b: {  	[tilespmem:$0x1AC00] =	vst v1  }
0x27c: {  	[tilespmem:$0x1AC10] =	vst v1  }
0x27d: {  	[tilespmem:$0x1AC20] =	vst v1  }
0x27e: {  	[tilespmem:$0x1AC30] =	vst v1  }
0x27f: {  	[tilespmem:$0x1AC40] =	vst v1  }
0x280: {  	[tilespmem:$0x1AC50] =	vst v1  }
0x281: {  	[tilespmem:$0x1AC60] =	vst v1  }
0x282: {  	[tilespmem:$0x1AC70] =	vst v1  }
0x283: {  	[tilespmem:$0x1AC80] =	vst v1  }
0x284: {  	[tilespmem:$0x1AC90] =	vst v1  }
0x285: {  	[tilespmem:$0x1ACA0] =	vst v1  }
0x286: {  	[tilespmem:$0x1ACB0] =	vst v1  }
0x287: {  	[tilespmem:$0x1ACC0] =	vst v1  }
0x288: {  	[tilespmem:$0x1ACD0] =	vst v1  }
0x289: {  	[tilespmem:$0x1ACE0] =	vst v1  }
0x28a: {  	[tilespmem:$0x1ACF0] =	vst v1  }
0x28b: {  	[tilespmem:$0x1AD00] =	vst v1  }
0x28c: {  	[tilespmem:$0x1AD10] =	vst v1  }
0x28d: {  	[tilespmem:$0x1AD20] =	vst v1  }
0x28e: {  	[tilespmem:$0x1AD30] =	vst v1  }
0x28f: {  	[tilespmem:$0x1AD40] =	vst v1  }
0x290: {  	[tilespmem:$0x1AD50] =	vst v1  }
0x291: {  	[tilespmem:$0x1AD60] =	vst v1  }
0x292: {  	[tilespmem:$0x1AD70] =	vst v1  }
0x293: {  	[tilespmem:$0x1AD80] =	vst v1  }
0x294: {  	[tilespmem:$0x1AD90] =	vst v1  }
0x295: {  	[tilespmem:$0x1ADA0] =	vst v1  }
0x296: {  	[tilespmem:$0x1ADB0] =	vst v1  }
0x297: {  	[tilespmem:$0x1ADC0] =	vst v1  }
0x298: {  	[tilespmem:$0x1ADD0] =	vst v1  }
0x299: {  	[tilespmem:$0x1ADE0] =	vst v1  }
0x29a: {  	[tilespmem:$0x1ADF0] =	vst v1  }
0x29b: {  	[tilespmem:$0x1AE00] =	vst v1  }
0x29c: {  	[tilespmem:$0x1AE10] =	vst v1  }
0x29d: {  	[tilespmem:$0x1AE20] =	vst v1  }
0x29e: {  	[tilespmem:$0x1AE30] =	vst v1  }
0x29f: {  	[tilespmem:$0x1AE40] =	vst v1  }
0x2a0: {  	[tilespmem:$0x1AE50] =	vst v1  }
0x2a1: {  	[tilespmem:$0x1AE60] =	vst v1  }
0x2a2: {  	[tilespmem:$0x1AE70] =	vst v1  }
0x2a3: {  	[tilespmem:$0x1AE80] =	vst v1  }
0x2a4: {  	[tilespmem:$0x1AE90] =	vst v1  }
0x2a5: {  	[tilespmem:$0x1AEA0] =	vst v1  }
0x2a6: {  	[tilespmem:$0x1AEB0] =	vst v1  }
0x2a7: {  	[tilespmem:$0x1AEC0] =	vst v1  }
0x2a8: {  	[tilespmem:$0x1AED0] =	vst v1  }
0x2a9: {  	[tilespmem:$0x1AEE0] =	vst v1  }
0x2aa: {  	[tilespmem:$0x1AEF0] =	vst v1  }
0x2ab: {  	[tilespmem:$0x1AF00] =	vst v1  }
0x2ac: {  	[tilespmem:$0x1AF10] =	vst v1  }
0x2ad: {  	[tilespmem:$0x1AF20] =	vst v1  }
0x2ae: {  	[tilespmem:$0x1AF30] =	vst v1  }
0x2af: {  	[tilespmem:$0x1AF40] =	vst v1  }
0x2b0: {  	[tilespmem:$0x1AF50] =	vst v1  }
0x2b1: {  	[tilespmem:$0x1AF60] =	vst v1  }
0x2b2: {  	[tilespmem:$0x1AF70] =	vst v1  }
0x2b3: {  	[tilespmem:$0x1AF80] =	vst v1  }
0x2b4: {  	[tilespmem:$0x1AF90] =	vst v1  }
0x2b5: {  	[tilespmem:$0x1AFA0] =	vst v1  }
0x2b6: {  	[tilespmem:$0x1AFB0] =	vst v1  }
0x2b7: {  	[tilespmem:$0x1AFC0] =	vst v1  }
0x2b8: {  	[tilespmem:$0x1AFD0] =	vst v1  }
0x2b9: {  	[tilespmem:$0x1AFE0] =	vst v1  }
0x2ba: {  	[tilespmem:$0x1AFF0] =	vst v1  }
0x2bb: {  	[tilespmem:$0x1B000] =	vst v1  }
0x2bc: {  	[tilespmem:$0x1B010] =	vst v1  }
0x2bd: {  	[tilespmem:$0x1B020] =	vst v1  }
0x2be: {  	[tilespmem:$0x1B030] =	vst v1  }
0x2bf: {  	[tilespmem:$0x1B040] =	vst v1  }
0x2c0: {  	[tilespmem:$0x1B050] =	vst v1  }
0x2c1: {  	[tilespmem:$0x1B060] =	vst v1  }
0x2c2: {  	[tilespmem:$0x1B070] =	vst v1  }
0x2c3: {  	[tilespmem:$0x1B080] =	vst v1  }
0x2c4: {  	[tilespmem:$0x1B090] =	vst v1  }
0x2c5: {  	[tilespmem:$0x1B0A0] =	vst v1  }
0x2c6: {  	[tilespmem:$0x1B0B0] =	vst v1  }
0x2c7: {  	[tilespmem:$0x1B0C0] =	vst v1  }
0x2c8: {  	[tilespmem:$0x1B0D0] =	vst v1  }
0x2c9: {  	[tilespmem:$0x1B0E0] =	vst v1  }
0x2ca: {  	[tilespmem:$0x1B0F0] =	vst v1  }
0x2cb: {  	[tilespmem:$0x1B100] =	vst v1  }
0x2cc: {  	[tilespmem:$0x1B110] =	vst v1  }
0x2cd: {  	[tilespmem:$0x1B120] =	vst v1  }
0x2ce: {  	[tilespmem:$0x1B130] =	vst v1  }
0x2cf: {  	[tilespmem:$0x1B140] =	vst v1  }
0x2d0: {  	[tilespmem:$0x1B150] =	vst v1  }
0x2d1: {  	[tilespmem:$0x1B160] =	vst v1  }
0x2d2: {  	[tilespmem:$0x1B170] =	vst v1  }
0x2d3: {  	[tilespmem:$0x1B180] =	vst v1  }
0x2d4: {  	[tilespmem:$0x1B190] =	vst v1  }
0x2d5: {  	[tilespmem:$0x1B1A0] =	vst v1  }
0x2d6: {  	[tilespmem:$0x1B1B0] =	vst v1  }
0x2d7: {  	[tilespmem:$0x1B1C0] =	vst v1  }
0x2d8: {  	[tilespmem:$0x1B1D0] =	vst v1  }
0x2d9: {  	[tilespmem:$0x1B1E0] =	vst v1  }
0x2da: {  	[tilespmem:$0x1B1F0] =	vst v1  }
0x2db: {  	[tilespmem:$0x1B200] =	vst v1  }
0x2dc: {  	[tilespmem:$0x1B210] =	vst v1  }
0x2dd: {  	[tilespmem:$0x1B220] =	vst v1  }
0x2de: {  	[tilespmem:$0x1B230] =	vst v1  }
0x2df: {  	[tilespmem:$0x1B240] =	vst v1  }
0x2e0: {  	[tilespmem:$0x1B250] =	vst v1  }
0x2e1: {  	[tilespmem:$0x1B260] =	vst v1  }
0x2e2: {  	[tilespmem:$0x1B270] =	vst v1  }
0x2e3: {  	[tilespmem:$0x1B280] =	vst v1  }
0x2e4: {  	[tilespmem:$0x1B290] =	vst v1  }
0x2e5: {  	[tilespmem:$0x1B2A0] =	vst v1  }
0x2e6: {  	[tilespmem:$0x1B2B0] =	vst v1  }
0x2e7: {  	[tilespmem:$0x1B2C0] =	vst v1  }
0x2e8: {  	[tilespmem:$0x1B2D0] =	vst v1  }
0x2e9: {  	[tilespmem:$0x1B2E0] =	vst v1  }
0x2ea: {  	[tilespmem:$0x1B2F0] =	vst v1  }
0x2eb: {  	[tilespmem:$0x1B300] =	vst v1  }
0x2ec: {  	[tilespmem:$0x1B310] =	vst v1  }
0x2ed: {  	[tilespmem:$0x1B320] =	vst v1  }
0x2ee: {  	[tilespmem:$0x1B330] =	vst v1  }
0x2ef: {  	[tilespmem:$0x1B340] =	vst v1  }
0x2f0: {  	[tilespmem:$0x1B350] =	vst v1  }
0x2f1: {  	[tilespmem:$0x1B360] =	vst v1  }
0x2f2: {  	[tilespmem:$0x1B370] =	vst v1  }
0x2f3: {  	[tilespmem:$0x1B380] =	vst v1  }
0x2f4: {  	[tilespmem:$0x1B390] =	vst v1  }
0x2f5: {  	[tilespmem:$0x1B3A0] =	vst v1  }
0x2f6: {  	[tilespmem:$0x1B3B0] =	vst v1  }
0x2f7: {  	[tilespmem:$0x1B3C0] =	vst v1  }
0x2f8: {  	[tilespmem:$0x1B3D0] =	vst v1  }
0x2f9: {  	[tilespmem:$0x1B3E0] =	vst v1  }
0x2fa: {  	[tilespmem:$0x1B3F0] =	vst v1  }
0x2fb: {  	[tilespmem:$0x1B400] =	vst v1  }
0x2fc: {  	[tilespmem:$0x1B410] =	vst v1  }
0x2fd: {  	[tilespmem:$0x1B420] =	vst v1  }
0x2fe: {  	[tilespmem:$0x1B430] =	vst v1  }
0x2ff: {  	[tilespmem:$0x1B440] =	vst v1  }
0x300: {  	[tilespmem:$0x1B450] =	vst v1  }
0x301: {  	[tilespmem:$0x1B460] =	vst v1  }
0x302: {  	[tilespmem:$0x1B470] =	vst v1  }
0x303: {  	[tilespmem:$0x1B480] =	vst v1  }
0x304: {  	[tilespmem:$0x1B490] =	vst v1  }
0x305: {  	[tilespmem:$0x1B4A0] =	vst v1  }
0x306: {  	[tilespmem:$0x1B4B0] =	vst v1  }
0x307: {  	[tilespmem:$0x1B4C0] =	vst v1  }
0x308: {  	[tilespmem:$0x1B4D0] =	vst v1  }
0x309: {  	[tilespmem:$0x1B4E0] =	vst v1  }
0x30a: {  	[tilespmem:$0x1B4F0] =	vst v1  }
0x30b: {  	[tilespmem:$0x1B500] =	vst v1  }
0x30c: {  	[tilespmem:$0x1B510] =	vst v1  }
0x30d: {  	[tilespmem:$0x1B520] =	vst v1  }
0x30e: {  	[tilespmem:$0x1B530] =	vst v1  }
0x30f: {  	[tilespmem:$0x1B540] =	vst v1  }
0x310: {  	[tilespmem:$0x1B550] =	vst v1  }
0x311: {  	[tilespmem:$0x1B560] =	vst v1  }
0x312: {  	[tilespmem:$0x1B570] =	vst v1  }
0x313: {  	[tilespmem:$0x1B580] =	vst v1  }
0x314: {  	[tilespmem:$0x1B590] =	vst v1  }
0x315: {  	[tilespmem:$0x1B5A0] =	vst v1  }
0x316: {  	[tilespmem:$0x1B5B0] =	vst v1  }
0x317: {  	[tilespmem:$0x1B5C0] =	vst v1  }
0x318: {  	[tilespmem:$0x1B5D0] =	vst v1  }
0x319: {  	[tilespmem:$0x1B5E0] =	vst v1  }
0x31a: {  	[tilespmem:$0x1B5F0] =	vst v1  }
0x31b: {  	[tilespmem:$0x1B600] =	vst v1  }
0x31c: {  	[tilespmem:$0x1B610] =	vst v1  }
0x31d: {  	[tilespmem:$0x1B620] =	vst v1  }
0x31e: {  	[tilespmem:$0x1B630] =	vst v1  }
0x31f: {  	[tilespmem:$0x1B640] =	vst v1  }
0x320: {  	[tilespmem:$0x1B650] =	vst v1  }
0x321: {  	[tilespmem:$0x1B660] =	vst v1  }
0x322: {  	[tilespmem:$0x1B670] =	vst v1  }
0x323: {  	[tilespmem:$0x1B680] =	vst v1  }
0x324: {  	[tilespmem:$0x1B690] =	vst v1  }
0x325: {  	[tilespmem:$0x1B6A0] =	vst v1  }
0x326: {  	[tilespmem:$0x1B6B0] =	vst v1  }
0x327: {  	[tilespmem:$0x1B6C0] =	vst v1  }
0x328: {  	[tilespmem:$0x1B6D0] =	vst v1  }
0x329: {  	[tilespmem:$0x1B6E0] =	vst v1  }
0x32a: {  	[tilespmem:$0x1B6F0] =	vst v1  }
0x32b: {  	[tilespmem:$0x1B700] =	vst v1  }
0x32c: {  	[tilespmem:$0x1B710] =	vst v1  }
0x32d: {  	[tilespmem:$0x1B720] =	vst v1  }
0x32e: {  	[tilespmem:$0x1B730] =	vst v1  }
0x32f: {  	[tilespmem:$0x1B740] =	vst v1  }
0x330: {  	[tilespmem:$0x1B750] =	vst v1  }
0x331: {  	[tilespmem:$0x1B760] =	vst v1  }
0x332: {  	[tilespmem:$0x1B770] =	vst v1  }
0x333: {  	[tilespmem:$0x1B780] =	vst v1  }
0x334: {  	[tilespmem:$0x1B790] =	vst v1  }
0x335: {  	[tilespmem:$0x1B7A0] =	vst v1  }
0x336: {  	[tilespmem:$0x1B7B0] =	vst v1  }
0x337: {  	[tilespmem:$0x1B7C0] =	vst v1  }
0x338: {  	[tilespmem:$0x1B7D0] =	vst v1  }
0x339: {  	[tilespmem:$0x1B7E0] =	vst v1  }
0x33a: {  	[tilespmem:$0x1B7F0] =	vst v1  }
0x33b: {  	[tilespmem:$0x1B800] =	vst v1  }
0x33c: {  	[tilespmem:$0x1B810] =	vst v1  }
0x33d: {  	[tilespmem:$0x1B820] =	vst v1  }
0x33e: {  	[tilespmem:$0x1B830] =	vst v1  }
0x33f: {  	[tilespmem:$0x1B840] =	vst v1  }
0x340: {  	[tilespmem:$0x1C500] =	vst v1  }
0x341: {  	[tilespmem:$0x1C510] =	vst v1  }
0x342: {  	[tilespmem:$0x1B850] =	vst v1  }
0x343: {  	[tilespmem:$0x1B860] =	vst v1  }
0x344: {  	[tilespmem:$0x1B870] =	vst v1  }
0x345: {  	[tilespmem:$0x1B880] =	vst v1  }
0x346: {  	[tilespmem:$0x1B890] =	vst v1  }
0x347: {  	[tilespmem:$0x1B8A0] =	vst v1  }
0x348: {  	[tilespmem:$0x1B8B0] =	vst v1  }
0x349: {  	[tilespmem:$0x1B8C0] =	vst v1  }
0x34a: {  	[tilespmem:$0x1B8D0] =	vst v1  }
0x34b: {  	[tilespmem:$0x1B8E0] =	vst v1  }
0x34c: {  	[tilespmem:$0x1B8F0] =	vst v1  }
0x34d: {  	[tilespmem:$0x1B900] =	vst v1  }
0x34e: {  	[tilespmem:$0x1B910] =	vst v1  }
0x34f: {  	[tilespmem:$0x1B920] =	vst v1  }
0x350: {  	[tilespmem:$0x1B930] =	vst v1  }
0x351: {  	[tilespmem:$0x1B940] =	vst v1  }
0x352: {  	[tilespmem:$0x1B950] =	vst v1  }
0x353: {  	[tilespmem:$0x1B960] =	vst v1  }
0x354: {  	[tilespmem:$0x1B970] =	vst v1  }
0x355: {  	[tilespmem:$0x1B980] =	vst v1  }
0x356: {  	[tilespmem:$0x1B990] =	vst v1  }
0x357: {  	[tilespmem:$0x1B9A0] =	vst v1  }
0x358: {  	[tilespmem:$0x1B9B0] =	vst v1  }
0x359: {  	[tilespmem:$0x1B9C0] =	vst v1  }
0x35a: {  	[tilespmem:$0x1B9D0] =	vst v1  }
0x35b: {  	[tilespmem:$0x1B9E0] =	vst v1  }
0x35c: {  	[tilespmem:$0x1B9F0] =	vst v1  }
0x35d: {  	[tilespmem:$0x1BA00] =	vst v1  }
0x35e: {  	[tilespmem:$0x1BA10] =	vst v1  }
0x35f: {  	[tilespmem:$0x1BA20] =	vst v1  }
0x360: {  	[tilespmem:$0x1BA30] =	vst v1  }
0x361: {  	[tilespmem:$0x1BA40] =	vst v1  }
0x362: {  	[tilespmem:$0x1BA50] =	vst v1  }
0x363: {  	[tilespmem:$0x1BA60] =	vst v1  }
0x364: {  	[tilespmem:$0x1BA70] =	vst v1  }
0x365: {  	[tilespmem:$0x1BA80] =	vst v1  }
0x366: {  	[tilespmem:$0x1BA90] =	vst v1  }
0x367: {  	[tilespmem:$0x1BAA0] =	vst v1  }
0x368: {  	[tilespmem:$0x1BAB0] =	vst v1  }
0x369: {  	[tilespmem:$0x1BAC0] =	vst v1  }
0x36a: {  	[tilespmem:$0x1BAD0] =	vst v1  }
0x36b: {  	[tilespmem:$0x1BAE0] =	vst v1  }
0x36c: {  	[tilespmem:$0x1BAF0] =	vst v1  }
0x36d: {  	[tilespmem:$0x1BB00] =	vst v1  }
0x36e: {  	[tilespmem:$0x1BB10] =	vst v1  }
0x36f: {  	[tilespmem:$0x1BB20] =	vst v1  }
0x370: {  	[tilespmem:$0x1BB30] =	vst v1  }
0x371: {  	[tilespmem:$0x1BB40] =	vst v1  }
0x372: {  	[tilespmem:$0x1BB50] =	vst v1  }
0x373: {  	[tilespmem:$0x1BB60] =	vst v1  }
0x374: {  	[tilespmem:$0x1BB70] =	vst v1  }
0x375: {  	[tilespmem:$0x1BB80] =	vst v1  }
0x376: {  	[tilespmem:$0x1BB90] =	vst v1  }
0x377: {  	[tilespmem:$0x1BBA0] =	vst v1  }
0x378: {  	[tilespmem:$0x1BBB0] =	vst v1  }
0x379: {  	[tilespmem:$0x1BBC0] =	vst v1  }
0x37a: {  	[tilespmem:$0x1BBD0] =	vst v1  }
0x37b: {  	[tilespmem:$0x1BBE0] =	vst v1  }
0x37c: {  	[tilespmem:$0x1BBF0] =	vst v1  }
0x37d: {  	[tilespmem:$0x1BC00] =	vst v1  }
0x37e: {  	[tilespmem:$0x1BC10] =	vst v1  }
0x37f: {  	[tilespmem:$0x1BC20] =	vst v1  }
0x380: {  	[tilespmem:$0x1BC30] =	vst v1  }
0x381: {  	[tilespmem:$0x1BC40] =	vst v1  }
0x382: {  	[tilespmem:$0x1BC50] =	vst v1  }
0x383: {  	[tilespmem:$0x1BC60] =	vst v1  }
0x384: {  	[tilespmem:$0x1BC70] =	vst v1  }
0x385: {  	[tilespmem:$0x1BC80] =	vst v1  }
0x386: {  	[tilespmem:$0x1BC90] =	vst v1  }
0x387: {  	[tilespmem:$0x1BCA0] =	vst v1  }
0x388: {  	[tilespmem:$0x1BCB0] =	vst v1  }
0x389: {  	[tilespmem:$0x1BCC0] =	vst v1  }
0x38a: {  	[tilespmem:$0x1BCD0] =	vst v1  }
0x38b: {  	[tilespmem:$0x1BCE0] =	vst v1  }
0x38c: {  	[tilespmem:$0x1BCF0] =	vst v1  }
0x38d: {  	[tilespmem:$0x1BD00] =	vst v1  }
0x38e: {  	[tilespmem:$0x1BD10] =	vst v1  }
0x38f: {  	[tilespmem:$0x1BD20] =	vst v1  }
0x390: {  	[tilespmem:$0x1BD30] =	vst v1  }
0x391: {  	[tilespmem:$0x1BD40] =	vst v1  }
0x392: {  	[tilespmem:$0x1BD50] =	vst v1  }
0x393: {  	[tilespmem:$0x1BD60] =	vst v1  }
0x394: {  	[tilespmem:$0x1BD70] =	vst v1  }
0x395: {  	[tilespmem:$0x1BD80] =	vst v1  }
0x396: {  	[tilespmem:$0x1BD90] =	vst v1  }
0x397: {  	[tilespmem:$0x1BDA0] =	vst v1  }
0x398: {  	[tilespmem:$0x1BDB0] =	vst v1  }
0x399: {  	[tilespmem:$0x1BDC0] =	vst v1  }
0x39a: {  	[tilespmem:$0x1BDD0] =	vst v1  }
0x39b: {  	[tilespmem:$0x1BDE0] =	vst v1  }
0x39c: {  	[tilespmem:$0x1BDF0] =	vst v1  }
0x39d: {  	[tilespmem:$0x1BE00] =	vst v1  }
0x39e: {  	[tilespmem:$0x1BE10] =	vst v1  }
0x39f: {  	[tilespmem:$0x1BE20] =	vst v1  }
0x3a0: {  	[tilespmem:$0x1BE30] =	vst v1  }
0x3a1: {  	[tilespmem:$0x1BE40] =	vst v1  }
0x3a2: {  	[tilespmem:$0x1BE50] =	vst v1  }
0x3a3: {  	[tilespmem:$0x1BE60] =	vst v1  }
0x3a4: {  	[tilespmem:$0x1BE70] =	vst v1  }
0x3a5: {  	[tilespmem:$0x1BE80] =	vst v1  }
0x3a6: {  	[tilespmem:$0x1BE90] =	vst v1  }
0x3a7: {  	[tilespmem:$0x1BEA0] =	vst v1  }
0x3a8: {  	[tilespmem:$0x1BEB0] =	vst v1  }
0x3a9: {  	[tilespmem:$0x1BEC0] =	vst v1  }
0x3aa: {  	[tilespmem:$0x1BED0] =	vst v1  }
0x3ab: {  	[tilespmem:$0x1BEE0] =	vst v1  }
0x3ac: {  	[tilespmem:$0x1BEF0] =	vst v1  }
0x3ad: {  	[tilespmem:$0x1BF00] =	vst v1  }
0x3ae: {  	[tilespmem:$0x1BF10] =	vst v1  }
0x3af: {  	[tilespmem:$0x1BF20] =	vst v1  }
0x3b0: {  	[tilespmem:$0x1BF30] =	vst v1  }
0x3b1: {  	[tilespmem:$0x1BF40] =	vst v1  }
0x3b2: {  	[tilespmem:$0x1BF50] =	vst v1  }
0x3b3: {  	[tilespmem:$0x1BF60] =	vst v1  }
0x3b4: {  	[tilespmem:$0x1BF70] =	vst v1  }
0x3b5: {  	[tilespmem:$0x1BF80] =	vst v1  }
0x3b6: {  	[tilespmem:$0x1BF90] =	vst v1  }
0x3b7: {  	[tilespmem:$0x1BFA0] =	vst v1  }
0x3b8: {  	[tilespmem:$0x1BFB0] =	vst v1  }
0x3b9: {  	[tilespmem:$0x1BFC0] =	vst v1  }
0x3ba: {  	[tilespmem:$0x1BFD0] =	vst v1  }
0x3bb: {  	[tilespmem:$0x1BFE0] =	vst v1  }
0x3bc: {  	[tilespmem:$0x1BFF0] =	vst v1  }
0x3bd: {  	[tilespmem:$0x1C000] =	vst v1  }
0x3be: {  	[tilespmem:$0x1C010] =	vst v1  }
0x3bf: {  	[tilespmem:$0x1C020] =	vst v1  }
0x3c0: {  	[tilespmem:$0x1C030] =	vst v1  }
0x3c1: {  	[tilespmem:$0x1C040] =	vst v1  }
0x3c2: {  	[tilespmem:$0x1C050] =	vst v1  }
0x3c3: {  	[tilespmem:$0x1C060] =	vst v1  }
0x3c4: {  	[tilespmem:$0x1C070] =	vst v1  }
0x3c5: {  	[tilespmem:$0x1C080] =	vst v1  }
0x3c6: {  	[tilespmem:$0x1C090] =	vst v1  }
0x3c7: {  	[tilespmem:$0x1C0A0] =	vst v1  }
0x3c8: {  	[tilespmem:$0x1C0B0] =	vst v1  }
0x3c9: {  	[tilespmem:$0x1C0C0] =	vst v1  }
0x3ca: {  	[tilespmem:$0x1C0D0] =	vst v1  }
0x3cb: {  	[tilespmem:$0x1C0E0] =	vst v1  }
0x3cc: {  	[tilespmem:$0x1C0F0] =	vst v1  }
0x3cd: {  	[tilespmem:$0x1C100] =	vst v1  }
0x3ce: {  	[tilespmem:$0x1C110] =	vst v1  }
0x3cf: {  	[tilespmem:$0x1C120] =	vst v1  }
0x3d0: {  	[tilespmem:$0x1C130] =	vst v1  }
0x3d1: {  	[tilespmem:$0x1C140] =	vst v1  }
0x3d2: {  	[tilespmem:$0x1C150] =	vst v1  }
0x3d3: {  	[tilespmem:$0x1C160] =	vst v1  }
0x3d4: {  	[tilespmem:$0x1C170] =	vst v1  }
0x3d5: {  	[tilespmem:$0x1C180] =	vst v1  }
0x3d6: {  	[tilespmem:$0x1C190] =	vst v1  }
0x3d7: {  	[tilespmem:$0x1C1A0] =	vst v1  }
0x3d8: {  	[tilespmem:$0x1C1B0] =	vst v1  }
0x3d9: {  	[tilespmem:$0x1C1C0] =	vst v1  }
0x3da: {  	[tilespmem:$0x1C1D0] =	vst v1  }
0x3db: {  	[tilespmem:$0x1C1E0] =	vst v1  }
0x3dc: {  	[tilespmem:$0x1C1F0] =	vst v1  }
0x3dd: {  	[tilespmem:$0x1C200] =	vst v1  }
0x3de: {  	[tilespmem:$0x1C210] =	vst v1  }
0x3df: {  	[tilespmem:$0x1C220] =	vst v1  }
0x3e0: {  	[tilespmem:$0x1C230] =	vst v1  }
0x3e1: {  	[tilespmem:$0x1C240] =	vst v1  }
0x3e2: {  	[tilespmem:$0x1C250] =	vst v1  }
0x3e3: {  	[tilespmem:$0x1C260] =	vst v1  }
0x3e4: {  	[tilespmem:$0x1C270] =	vst v1  }
0x3e5: {  	[tilespmem:$0x1C280] =	vst v1  }
0x3e6: {  	[tilespmem:$0x1C290] =	vst v1  }
0x3e7: {  	[tilespmem:$0x1C2A0] =	vst v1  }
0x3e8: {  	[tilespmem:$0x1C2B0] =	vst v1  }
0x3e9: {  	[tilespmem:$0x1C2C0] =	vst v1  }
0x3ea: {  	[tilespmem:$0x1C2D0] =	vst v1  }
0x3eb: {  	[tilespmem:$0x1C2E0] =	vst v1  }
0x3ec: {  	[tilespmem:$0x1C2F0] =	vst v1  }
0x3ed: {  	[tilespmem:$0x1C300] =	vst v1  }
0x3ee: {  	[tilespmem:$0x1C310] =	vst v1  }
0x3ef: {  	[tilespmem:$0x1C320] =	vst v1  }
0x3f0: {  	[tilespmem:$0x1C330] =	vst v1  }
0x3f1: {  	[tilespmem:$0x1C340] =	vst v1  }
0x3f2: {  	[tilespmem:$0x1C350] =	vst v1  }
0x3f3: {  	[tilespmem:$0x1C360] =	vst v1  }
0x3f4: {  	[tilespmem:$0x1C370] =	vst v1  }
0x3f5: {  	[tilespmem:$0x1C380] =	vst v1  }
0x3f6: {  	[tilespmem:$0x1C390] =	vst v1  }
0x3f7: {  	[tilespmem:$0x1C3A0] =	vst v1  }
0x3f8: {  	[tilespmem:$0x1C3B0] =	vst v1  }
0x3f9: {  	[tilespmem:$0x1C3C0] =	vst v1  }
0x3fa: {  	[tilespmem:$0x1C3D0] =	vst v1  }
0x3fb: {  	[tilespmem:$0x1C3E0] =	vst v1  }
0x3fc: {  	[tilespmem:$0x1C3F0] =	vst v1  }
0x3fd: {  	[tilespmem:$0x1C400] =	vst v1  }
0x3fe: {  	[tilespmem:$0x1C410] =	vst v1  }
0x3ff: {  	[tilespmem:$0x1C420] =	vst v1  }
0x400: {  	[tilespmem:$0x1C430] =	vst v1  }
0x401: {  	[tilespmem:$0x1C440] =	vst v1  }
0x402: {  	[tilespmem:$0x1C450] =	vst v1  }
0x403: {  	[tilespmem:$0x1C460] =	vst v1  }
0x404: {  	[tilespmem:$0x1C470] =	vst v1  }
0x405: {  	[tilespmem:$0x1C480] =	vst v1  }
0x406: {  	[tilespmem:$0x1C490] =	vst v1  }
0x407: {  	[tilespmem:$0x1C4A0] =	vst v1  }
0x408: {  	[tilespmem:$0x1C4B0] =	vst v1  }
0x409: {  	[tilespmem:$0x1C4C0] =	vst v1  }
0x40a: {  	[tilespmem:$0x1C4D0] =	vst v1  }
0x40b: {  	[tilespmem:$0x1C4E0] =	vst v1  }
0x40c: {  	[tilespmem:$0x1C4F0] =	vst v1;
	s8 =	rddreg [dreg:$0xd]  }
0x40d: {  	[spmem:s8] =	stream.linear.scatter [tilespmem:s30], [sflag:$0x2], $0x3E80, $0x38;
	[tilespmem:$0x1CB10] =	vst v63  }
0x40e: {  	_ =	swait.ge [sflag:s31], $0x3E80  }
0x40f: {  	[sflag:s31] =	ssyncset.done $0x0  }
0x410: {  	[sflag:s31] =	ssyncadd.s32 $0xFFFFC180  }
0x411: {  	[spmem:s15] =	stream.linear.scatter [tilespmem:s30], [sflag:$0x2], $0x3E80, $0x38;
	[tilespmem:$0x1CB10] =	vst v63  }
0x412: {  	_ =	swait.ge [sflag:s31], $0x3E80  }
0x413: {  	[sflag:s31] =	ssyncset.done $0x0  }
0x414: {  	[sflag:s31] =	ssyncadd.s32 $0xFFFFC180  }
0x415: {  	[spmem:s16] =	stream.linear.scatter [tilespmem:s30], [sflag:$0x2], $0x3E80, $0x38;
	[tilespmem:$0x1CB10] =	vst v63  }
0x416: {  	_ =	swait.ge [sflag:s31], $0x3E80  }
0x417: {  	[sflag:s31] =	ssyncset.done $0x0  }
0x418: {  	[sflag:s31] =	ssyncadd.s32 $0xFFFFC180  }
0x419: {  	[spmem:s17] =	stream.linear.scatter [tilespmem:s30], [sflag:$0x2], $0x3E80, $0x38;
	[tilespmem:$0x1CB10] =	vst v63  }
0x41a: {  	_ =	swait.ge [sflag:s31], $0x3E80  }
0x41b: {  	[sflag:s31] =	ssyncset.done $0x0  }
0x41c: {  	[sflag:s31] =	ssyncadd.s32 $0xFFFFC180  }
0x41d: {  	[spmem:s18] =	stream.linear.scatter [tilespmem:s30], [sflag:$0x2], $0x3E80, $0x38;
	[tilespmem:$0x1CB10] =	vst v63  }
0x41e: {  	_ =	swait.ge [sflag:s31], $0x3E80  }
0x41f: {  	[sflag:s31] =	ssyncset.done $0x0  }
0x420: {  	[sflag:s31] =	ssyncadd.s32 $0xFFFFC180  }
0x421: {  	[spmem:s19] =	stream.linear.scatter [tilespmem:s30], [sflag:$0x2], $0x3E80, $0x38;
	[tilespmem:$0x1CB10] =	vst v63  }
0x422: {  	_ =	swait.ge [sflag:s31], $0x3E80  }
0x423: {  	[sflag:s31] =	ssyncset.done $0x0  }
0x424: {  	s8 =	simm.s32 @!p0 $0x186A0;
	[sflag:s31] =	ssyncadd.s32 $0xFFFFC180  }
0x425: {  	[spmem:s20] =	stream.linear.scatter @!p0 [tilespmem:s8], [sflag:$0x2], $0x3E80, $0x38;
	[tilespmem:$0x1CB10] =	vst v63  }
0x426: {  	s8 =	simm.s32 @!p0 $0x2  }
0x427: {  	_ =	swait.ge @!p0 [sflag:s8], $0x3E80  }
0x428: {  	[sflag:s8] =	ssyncset.done @!p0 $0x0  }
0x429: {  	[sflag:s8] =	ssyncadd.s32 @!p0 $0xFFFFC180  }
0x42a: {  	s10 =	sadd.s32 $0x0, s13;
	[bflag:$0x0] =	sbarrier.arrive $0xFFFF  }
0x42b: {  	[tilespmem:s9], [sflag:$0x2] =	stream.linear.gather [hbm4b:s10+s2], $0x50, $0x38;
	[tilespmem:$0x1CB10] =	vst v63  }
0x42c: {  	_ =	swait.ge [sflag:s31], $0x50  }
0x42d: {  	[sflag:s31] =	ssyncset.done $0x0  }
0x42e: {  	s14 =	sadd.s32 $0x0, s12;
	[sflag:s31] =	ssyncadd.s32 $0xFFFFFFB0  }
0x42f: {  	[tilespmem:s0], [sflag:$0x2] =	stream.linear.gather [hbm4b:s14+s2], $0x50, $0x38;
	[tilespmem:$0x1CB10] =	vst v63  }
0x430: {  	_ =	swait.ge [sflag:s31], $0x50  }
0x431: {  	[sflag:s31] =	ssyncset.done $0x0  }
0x432: {  	[sflag:s31] =	ssyncadd.s32 $0xFFFFFFB0  }
0x433: {  	v2 =	vld [tilespmem:$0x1C560]  }
0x434: {  	v3 =	vld [tilespmem:$0x1C550]  }
0x435: {  	v4 =	vld [tilespmem:$0x1C540]  }
0x436: {  	v5 =	vld [tilespmem:$0x1C530]  }
0x437: {  	v6 =	vld [tilespmem:$0x1C520]  }
0x438: {  	v2 =	vshll.u32 v2, $0x1  }
0x439: {  	v3 =	vshll.u32 v3, $0x1;
	v2 =	vor.u32 v0, v2  }
0x43a: {  	v4 =	vshll.u32 v4, $0x1;
	v3 =	vor.u32 v0, v3;
	[tilespmem:$0x1C600] =	vst v2  }
0x43b: {  	v4 =	vor.u32 v0, v4;
	v2 =	vshll.u32 v5, $0x1;
	[tilespmem:$0x1C5F0] =	vst v3  }
0x43c: {  	v3 =	vshll.u32 v6, $0x1;
	[tilespmem:$0x1C5E0] =	vst v4;
	v2 =	vor.u32 v0, v2  }
0x43d: {  	v3 =	vor.u32 v0, v3;
	[tilespmem:$0x1C5D0] =	vst v2  }
0x43e: {  	[tilespmem:$0x1C5C0] =	vst v3  }
0x43f: {  	[tilespmem:s5], [sflag:$0x1] =	stream.indirect.gather [hbm4b:s1+s3], $0x10, s4, s3, $0xb8;
	[tilespmem:$0x1CB10] =	vst v63  }
0x440: {  	_ =	swait.ge [sflag:s6], $0x500  }
0x441: {  	s8 =	simm.s32 $0xA;
	[sflag:s6] =	ssyncset.done $0x0  }
.LBB2_2:
0x442: {  	p1 =	sne.s32 s8, $0x30CA  }
0x443: {  	[sflag:s6] =	ssyncadd.s32 $0xFFFFFB00;
	s10 =	smov.u32 s8;
	s8 =	sadd.s32 $0xA, s8  }
0x444: {  	[spmem:s11] =	stream.indirect.scatter.add.f32 [tilespmem:s5], [sflag:$0x2], $0x10, s0, s3, $0xb8;
	[tilespmem:$0x1CB10] =	vst v63  }
0x445: {  	_ =	swait.ge [sflag:s31], $0x500  }
0x446: {  	[sflag:s31] =	ssyncset.done $0x0  }
0x447: {  	s14 =	sadd.s32 s10, s13;
	[sflag:s31] =	ssyncadd.s32 $0xFFFFFB00  }
0x448: {  	[tilespmem:s9], [sflag:$0x2] =	stream.linear.gather [hbm4b:s14+s2], $0x50, $0x38;
	[tilespmem:$0x1CB10] =	vst v63  }
0x449: {  	_ =	swait.ge [sflag:s31], $0x50  }
0x44a: {  	[sflag:s31] =	ssyncset.done $0x0  }
0x44b: {  	s10 =	sadd.s32 s10, s12;
	[sflag:s31] =	ssyncadd.s32 $0xFFFFFFB0  }
0x44c: {  	[tilespmem:s0], [sflag:$0x2] =	stream.linear.gather [hbm4b:s10+s2], $0x50, $0x38;
	[tilespmem:$0x1CB10] =	vst v63  }
0x44d: {  	_ =	swait.ge [sflag:s31], $0x50  }
0x44e: {  	[sflag:s31] =	ssyncset.done $0x0  }
0x44f: {  	[sflag:s31] =	ssyncadd.s32 $0xFFFFFFB0  }
0x450: {  	v2 =	vld [tilespmem:$0x1C560]  }
0x451: {  	v3 =	vld [tilespmem:$0x1C550]  }
0x452: {  	v4 =	vld [tilespmem:$0x1C540]  }
0x453: {  	v5 =	vld [tilespmem:$0x1C530]  }
0x454: {  	v6 =	vld [tilespmem:$0x1C520]  }
0x455: {  	v2 =	vshll.u32 v2, $0x1  }
0x456: {  	v3 =	vshll.u32 v3, $0x1;
	v2 =	vor.u32 v0, v2  }
0x457: {  	v4 =	vshll.u32 v4, $0x1;
	v3 =	vor.u32 v0, v3;
	[tilespmem:$0x1C600] =	vst v2  }
0x458: {  	v2 =	vshll.u32 v5, $0x1;
	v4 =	vor.u32 v0, v4;
	[tilespmem:$0x1C5F0] =	vst v3  }
0x459: {  	v3 =	vshll.u32 v6, $0x1;
	v2 =	vor.u32 v0, v2;
	[tilespmem:$0x1C5E0] =	vst v4  }
.Ltmp0:
0x45a: {  	v3 =	vor.u32 v0, v3;
	[tilespmem:$0x1C5D0] =	vst v2;
	(pc) =	sbr.rel @p1 .LBB2_2-.Ltmp0, $4  }
0x45b: {  	[tilespmem:$0x1C5C0] =	vst v3  }
0x45c: {  	[tilespmem:s5], [sflag:$0x1] =	stream.indirect.gather [hbm4b:s1+s3], $0x10, s4, s3, $0xb8;
	[tilespmem:$0x1CB10] =	vst v63  }
0x45d: {  	_ =	swait.ge [sflag:s6], $0x500  }
0x45e: {  	[sflag:s6] =	ssyncset.done $0x0  }
0x45f: {  	[sflag:s6] =	ssyncadd.s32 $0xFFFFFB00  }
0x460: {  	[spmem:s11] =	stream.indirect.scatter.add.f32 [tilespmem:s5], [sflag:$0x2], $0x10, s0, s3, $0xb8;
	[tilespmem:$0x1CB10] =	vst v63  }
0x461: {  	_ =	swait.ge [sflag:s31], $0x500  }
0x462: {  	[sflag:s31] =	ssyncset.done $0x0  }
0x463: {  	s8 =	stileid.u32;
	[sflag:s31] =	ssyncadd.s32 $0xFFFFFB00  }
0x464: {  	s8 =	sshll.u32 s8, $0x6;
	[bflag:$0x0] =	sbarrier.arrive $0xFFFF  }
0x465: {  	s8 =	sor.u32 $0x1C02, s8;
	s10 =	rddreg [dreg:$0x6]  }
0x466: {  	[hbm:s10], [sflag:s8] =	dma.local [spmem:s22], $0x7D0  }
0x467: {  	_ =	swait.ge [sflag:s31], $0x7D0  }
0x468: {  	[sflag:s31] =	ssyncset.done $0x0  }
0x469: {  	s14 =	rddreg [dreg:$0x7];
	[sflag:s31] =	ssyncadd.s32 $0xFFFFF830  }
0x46a: {  	[hbm:s14], [sflag:s8] =	dma.local [spmem:s23], $0x7D0  }
0x46b: {  	_ =	swait.ge [sflag:s31], $0x7D0  }
0x46c: {  	[sflag:s31] =	ssyncset.done $0x0  }
0x46d: {  	s14 =	rddreg [dreg:$0x8];
	[sflag:s31] =	ssyncadd.s32 $0xFFFFF830  }
0x46e: {  	[hbm:s14], [sflag:s8] =	dma.local [spmem:s24], $0x7D0  }
0x46f: {  	_ =	swait.ge [sflag:s31], $0x7D0  }
0x470: {  	[sflag:s31] =	ssyncset.done $0x0  }
0x471: {  	s14 =	rddreg [dreg:$0x9];
	[sflag:s31] =	ssyncadd.s32 $0xFFFFF830  }
0x472: {  	[hbm:s14], [sflag:s8] =	dma.local [spmem:s25], $0x7D0  }
0x473: {  	_ =	swait.ge [sflag:s31], $0x7D0  }
0x474: {  	[sflag:s31] =	ssyncset.done $0x0  }
0x475: {  	s14 =	rddreg [dreg:$0xa];
	[sflag:s31] =	ssyncadd.s32 $0xFFFFF830  }
0x476: {  	[hbm:s14], [sflag:s8] =	dma.local [spmem:s26], $0x7D0  }
0x477: {  	_ =	swait.ge [sflag:s31], $0x7D0  }
0x478: {  	[sflag:s31] =	ssyncset.done $0x0  }
0x479: {  	s14 =	rddreg [dreg:$0xb];
	[sflag:s31] =	ssyncadd.s32 $0xFFFFF830  }
0x47a: {  	[hbm:s14], [sflag:s8] =	dma.local [spmem:s28], $0x7D0  }
0x47b: {  	_ =	swait.ge [sflag:s31], $0x7D0  }
0x47c: {  	s7 =	sadd.s32 $0x1, s7;
	[sflag:s31] =	ssyncset.done $0x0  }
0x47d: {  	p1 =	sne.s32 s7, s21;
	s10 =	rddreg [dreg:$0xc];
	[sflag:s31] =	ssyncadd.s32 $0xFFFFF830  }
0x47e: {  	[hbm:s10], [sflag:s8] =	dma.local @!p0 [spmem:s29], $0x7D0  }
.Ltmp1:
0x47f: {  	_ = 	snop;
	(pc) =	sbr.rel @p1 .LBB2_1-.Ltmp1, $4  }
0x480: {  	s8 =	simm.s32 @!p0 $0x2  }
0x481: {  	_ =	swait.ge @!p0 [sflag:s8], $0x7D0  }
0x482: {  	[sflag:s8] =	ssyncset.done @!p0 $0x0  }
0x483: {  	[sflag:s8] =	ssyncadd.s32 @!p0 $0xFFFFF830  }
0x484: {  	_ =	sfence.sel $0x180000  }
0x485: {  	[bflag:$0x0] =	sbarrier.arrive $0xFFFF  }
0x486: {  	_ =	strace $0x90000047  }
0x487: {  	s0 =	stileid.u32;
	[bflag:$0x2] =	sbarrier.arrive $0xFFFF  }
0x488: {  	p0 =	sne.s32 s0, $0x0;
	s0 =	rddreg [dreg:$0x5]  }
0x489: {  	s0 =	sadd.s32 @!p0 $0x100000, s0  }
0x48a: {  	[sflag:s0] =	ssyncadd.tile.s32 @!p0 $0x1;
	_ =	shalt  }
.Lfunc_end2:
_tile_overlayer_lowered:
.L_overlay_start_2:
0x48b: {  	(tag) =	ssettag $0x2  }
0x48c: {  	s0 =	rddreg [dreg:$0x0];
	s2 =	stileid.u32  }
0x48d: {  	s1 =	rddreg [dreg:$0x1];
	p0 =	sne.s32 s2, $0x0  }
0x48e: {  	s3 =	rddreg [dreg:$0x2];
	[bflag:$0x3] =	sbarrier.arrive $0xFFFF;
	s2 =	simm.s32 @!p0 $0x1C02  }
0x48f: {  	[timem:s3], [sflag:s2] =	dma.local @!p0 [hbm:s0], s1  }
0x490: {  	s0 =	simm.s32 @!p0 $0x2  }
0x491: {  	_ =	swait.ge @!p0 [sflag:s0], s1  }
0x492: {  	s1 =	ssub.s32 @!p0 $0x0, s1;
	[sflag:s0] =	ssyncset.done @!p0 $0x0  }
0x493: {  	[sflag:s0] =	ssyncadd.s32 @!p0 s1  }
0x494: {  	[bflag:$0x3] =	sbarrier.arrive $0xFFFF  }
0x495: {  	_ =	shalt  }

</sc_bundles>
